<compile_context>
chip_gen: v7x
topology: tpu7x:2x2x1
jax: 0.10.2.dev20260603
libtpu: 0.0.44.dev20260713+nightly
codegen_flags: <defaults>
</compile_context>

<pallas_src>
import functools

import jax
import jax.numpy as jnp
from jax import lax
from jax.experimental import pallas as pl
from jax.experimental.pallas import tpu as pltpu
from jax.experimental.pallas import tpu_sc as plsc

B = 16384
S = 200
VOCAB = 95
VOC = 96
EMBED = 32
HIDDEN = 64
LATENT = 32

NC = 2
NS = 16
NW = NC * NS
CH = 128

_mesh = plsc.VectorSubcoreMesh(core_axis_name="c", subcore_axis_name="s")


def _make_sc_histogram(nrows, base):
    rpw = nrows // NW
    nchunk = rpw // CH

    @functools.partial(
        pl.kernel,
        mesh=_mesh,
        out_type=jax.ShapeDtypeStruct((VOC, nrows), jnp.float32),
        scratch_types=[
            pltpu.VMEM((S, CH), jnp.int32),
            pltpu.VMEM((S, CH), jnp.int32),
            pltpu.VMEM((VOC, rpw), jnp.float32),
            pltpu.SemaphoreType.DMA,
            pltpu.SemaphoreType.DMA,
            pltpu.SemaphoreType.DMA,
        ],
        compiler_params=pltpu.CompilerParams(needs_layout_passes=False),
    )
    def _sc_histogram(tok_hbm, cnt_hbm, tok_v0, tok_v1, cnt_v, sem0, sem1,
                      sem_out):
        wid = lax.axis_index("s") * NC + lax.axis_index("c")
        row0 = base + wid * rpw
        lanes = lax.iota(jnp.int32, 16)
        zeros = jnp.zeros((16,), jnp.float32)
        ones = jnp.ones((16,), jnp.float32)
        bufs = (tok_v0, tok_v1)
        sems = (sem0, sem1)

        in_descs = [None] * nchunk
        in_descs[0] = pltpu.async_copy(tok_hbm.at[:, pl.ds(row0, CH)],
                                       tok_v0, sem0)

        def zbody(i, carry):
            for c in range(rpw // 16):
                cnt_v[i, pl.ds(c * 16, 16)] = zeros
            return carry

        lax.fori_loop(0, VOC, zbody, 0, unroll=2)

        for ch in range(nchunk):
            if ch + 1 < nchunk:
                in_descs[ch + 1] = pltpu.async_copy(
                    tok_hbm.at[:, pl.ds(row0 + (ch + 1) * CH, CH)],
                    bufs[(ch + 1) % 2], sems[(ch + 1) % 2])
            in_descs[ch].wait()
            tok_v = bufs[ch % 2]
            row_groups = [(ch * CH + rb * 16) + lanes
                          for rb in range(CH // 16)]
            loc_groups = [rb * 16 + lanes for rb in range(CH // 16)]

            def sbody(s, carry):
                svec = jnp.full((16,), 0, jnp.int32) + s
                ts = [plsc.load_gather(tok_v, [svec, loc_groups[rb]])
                      for rb in range(CH // 16)]
                for rb in range(CH // 16):
                    plsc.addupdate_scatter(cnt_v, [ts[rb], row_groups[rb]],
                                           ones)
                return carry

            lax.fori_loop(0, S, sbody, 0, unroll=2)

        pltpu.async_copy(cnt_v, cnt_hbm.at[:, pl.ds(wid * rpw, rpw)],
                         sem_out).wait()

    return _sc_histogram


HALF = B // 2
_sc_hist_h0 = _make_sc_histogram(HALF, 0)
_sc_hist_h1 = _make_sc_histogram(HALF, HALF)


def _tc_mlp_t(cnt_ref, embt_ref, w1t_ref, b1_ref, w2t_ref, b2_ref, w3t_ref,
              b3_ref, zin_ref, out_ref):
    del zin_ref
    cnts = cnt_ref[...]
    e1t = jnp.dot(w1t_ref[...], embt_ref[...],
                  preferred_element_type=jnp.float32)
    acc = jnp.dot(e1t, cnts, preferred_element_type=jnp.float32)
    denom = (jnp.float32(S) - cnts[0:1, :]) + jnp.float32(1e-8)
    h = jnp.maximum(acc / denom + b1_ref[...], 0.0)
    h = jnp.maximum(
        jnp.dot(w2t_ref[...], h, preferred_element_type=jnp.float32)
        + b2_ref[...], 0.0)
    out_ref[...] = (jnp.dot(w3t_ref[...], h,
                            preferred_element_type=jnp.float32)
                    + b3_ref[...])


BLK = 2048


def _run_mlp_t(counts, embt, W1t, b1c, W2t, b2c, W3t, b3c, zin, blk_off):
    rep = lambda i: (0, 0)
    ncols = counts.shape[1]
    in_specs = [
        pl.BlockSpec((VOC, BLK), lambda i: (0, i)),
        pl.BlockSpec((EMBED, VOC), rep),
        pl.BlockSpec((HIDDEN, EMBED), rep),
        pl.BlockSpec((HIDDEN, 1), rep),
        pl.BlockSpec((HIDDEN, HIDDEN), rep),
        pl.BlockSpec((HIDDEN, 1), rep),
        pl.BlockSpec((LATENT, HIDDEN), rep),
        pl.BlockSpec((LATENT, 1), rep),
    ]
    args = [counts, embt, W1t, b1c, W2t, b2c, W3t, b3c]
    body = _tc_mlp_t
    aliases = {}
    if zin is not None:
        in_specs.append(pl.BlockSpec((LATENT, BLK),
                                     lambda i: (0, i + blk_off)))
        args.append(zin)
        aliases = {8: 0}
    else:
        body = functools.partial(_tc_mlp_t_noalias)
    return pl.pallas_call(
        body,
        grid=(ncols // BLK,),
        in_specs=in_specs,
        out_specs=pl.BlockSpec((LATENT, BLK), lambda i: (0, i + blk_off)),
        out_shape=jax.ShapeDtypeStruct((LATENT, B), jnp.float32),
        input_output_aliases=aliases,
    )(*args)


def _tc_mlp_t_noalias(cnt_ref, embt_ref, w1t_ref, b1_ref, w2t_ref, b2_ref,
                      w3t_ref, b3_ref, out_ref):
    _tc_mlp_t(cnt_ref, embt_ref, w1t_ref, b1_ref, w2t_ref, b2_ref, w3t_ref,
              b3_ref, None, out_ref)


def kernel(tokens, emb, W1, b1, W2, b2, W3, b3):
    tokens_t = tokens.astype(jnp.int32).T
    embt = jnp.pad(emb.astype(jnp.float32), ((0, VOC - VOCAB), (0, 0))).T
    W1t, W2t, W3t = W1.T, W2.T, W3.T
    b1c, b2c, b3c = (b1.reshape(-1, 1), b2.reshape(-1, 1), b3.reshape(-1, 1))
    c0 = _sc_hist_h0(tokens_t)
    c1 = _sc_hist_h1(tokens_t)
    zt = _run_mlp_t(c0, embt, W1t, b1c, W2t, b2c, W3t, b3c, None, 0)
    zt = _run_mlp_t(c1, embt, W1t, b1c, W2t, b2c, W3t, b3c, zt, HALF // BLK)
    return zt.T

# --- scband reference (transcript-rebuilt; emitter-appended) ---
"""Pipeline reference for scband-log-encoder-16389595202134 (READ-ONLY COPY).

The authoritative reference and input builder live on the scoring server;
editing this copy changes nothing except your own understanding.
"""

import jax, jax.numpy as jnp
import numpy as np

VOCAB = 95
EMBED = 32
HIDDEN = 64
LATENT = 32
BATCH = 16384
SEQ = 200


def setup_inputs(seed: int = 0) -> dict:
    key = jax.random.key(seed)
    ks = jax.random.split(key, 8)
    tokens = jax.random.randint(ks[0], (BATCH, SEQ), 0, VOCAB)
    emb = jax.random.normal(ks[1], (VOCAB, EMBED), dtype=jnp.float32) * 0.02
    emb = emb.at[0].set(0.0)  # padding_idx=0
    W1 = jax.random.normal(ks[2], (EMBED, HIDDEN), dtype=jnp.float32) * 0.05
    b1 = jnp.zeros((HIDDEN,), dtype=jnp.float32)
    W2 = jax.random.normal(ks[3], (HIDDEN, HIDDEN), dtype=jnp.float32) * 0.05
    b2 = jnp.zeros((HIDDEN,), dtype=jnp.float32)
    W3 = jax.random.normal(ks[4], (HIDDEN, LATENT), dtype=jnp.float32) * 0.05
    b3 = jnp.zeros((LATENT,), dtype=jnp.float32)
    return {"tokens": tokens, "emb": emb, "W1": W1, "b1": b1, "W2": W2, "b2": b2, "W3": W3, "b3": b3}


def reference(tokens, emb, W1, b1, W2, b2, W3, b3):
    # embedding lookup (SparseCore gather)
    x = jnp.take(emb, tokens, axis=0)  # (B, S, E)
    mask = (tokens != 0).astype(jnp.float32)[..., None]  # (B, S, 1)
    pooled = (x * mask).sum(axis=1) / (mask.sum(axis=1) + 1e-08)  # (B, E)
    h = jax.nn.relu(pooled @ W1 + b1)
    h = jax.nn.relu(h @ W2 + b2)
    z = h @ W3 + b3
    return z

if __name__ == "__main__":
    import jax
    _d = setup_inputs()
    print(jax.jit(kernel)(*tuple(_d.values())))

</pallas_src>

<mosaic_0001>
#map = affine_map<(d0, d1) -> (0, 0)>
module attributes {stable_mosaic.version = 14 : i64} {
  func.func @_sc_histogram(%arg0: i32, %arg1: i32, %arg2: memref<200x16384xi32, #tpu.memory_space<hbm>>, %arg3: memref<96x8192xf32, #tpu.memory_space<hbm>>, %arg4: memref<200x128xi32, #tpu.memory_space<vmem>>, %arg5: memref<200x128xi32, #tpu.memory_space<vmem>>, %arg6: memref<96x256xf32, #tpu.memory_space<vmem>>, %arg7: memref<!tpu.dma_semaphore, #tpu.memory_space<semaphore_mem>>, %arg8: memref<!tpu.dma_semaphore, #tpu.memory_space<semaphore_mem>>, %arg9: memref<!tpu.dma_semaphore, #tpu.memory_space<semaphore_mem>>) attributes {dimension_semantics = [#tpu.dimension_semantics<core_parallel>, #tpu.dimension_semantics<subcore_parallel>], iteration_bounds = array<i64: 2, 16>, scalar_prefetch = 0 : i64, scratch_operands = 6 : i64, tpu.core_type = #tpu.core_type<sc_vector_subcore>, window_params = [{transform_indices = #map}, {transform_indices = #map}]} {
    %mul3A = arith.constant 2 : i32
    %mul3A_0 = arith.muli %arg1, %mul3A : i32
    %add3A = arith.addi %mul3A_0, %arg0 : i32
    %mul3A_1 = arith.constant 256 : i32
    %mul3A_2 = arith.muli %add3A, %mul3A_1 : i32
    %add3A_3 = arith.constant 8192 : i32
    %add3A_4 = arith.addi %add3A_3, %mul3A_2 : i32
    %iota3A = tpu.iota {dimensions = array<i32: 0>} : vector<16xi32>
    %broadcast_in_dim3A = arith.constant 0.000000e+00 : f32
    %broadcast_in_dim3A_5 = vector.broadcast %broadcast_in_dim3A : f32 to vector<16xf32>
    %broadcast_in_dim3A_6 = arith.constant 1.000000e+00 : f32
    %broadcast_in_dim3A_7 = vector.broadcast %broadcast_in_dim3A_6 : f32 to vector<16xf32>
    %dma_start3A = arith.constant 0 : i32
    %dma_start3A_8 = tpu.memref_slice %arg2[%dma_start3A, %add3A_4] : memref<200x16384xi32, #tpu.memory_space<hbm>> -> memref<200x128xi32, #tpu.memory_space<hbm>>
    %dma_start3A_9 = arith.constant 0 : i32
    %dma_start3A_10 = tpu.memref_slice %arg2[%dma_start3A_9, %add3A_4] : memref<200x16384xi32, #tpu.memory_space<hbm>> -> memref<200x128xi32, #tpu.memory_space<hbm>>
    tpu.enqueue_dma source(%dma_start3A_10 : memref<200x128xi32, #tpu.memory_space<hbm>>) target(%arg4 : memref<200x128xi32, #tpu.memory_space<vmem>>) target_semaphore(%arg7 : memref<!tpu.dma_semaphore, #tpu.memory_space<semaphore_mem>>)
    %scan3A = arith.constant 0 : i32
    %scan3A_11 = arith.constant 0 : i32
    %scan3A_12 = arith.constant 96 : i32
    %scan3A_13 = arith.addi %scan3A_11, %scan3A_12 : i32
    %scan3A_14 = arith.constant 2 : i32
    scf.for %scan3A_147 = %scan3A_11 to %scan3A_13 step %scan3A_14  : i32 {
      %swap3A = arith.index_cast %scan3A_147 : i32 to index
      %swap3A_148 = arith.constant 0 : index
      %swap3A_149 = tpu.vector_load %arg6[%swap3A, %swap3A_148] {strides = array<i32>} : memref<96x256xf32, #tpu.memory_space<vmem>>, vector<16xf32>,
      tpu.vector_store %arg6[%swap3A, %swap3A_148], %broadcast_in_dim3A_5 {strides = array<i32>} : memref<96x256xf32, #tpu.memory_space<vmem>>, vector<16xf32>,
      %swap3A_150 = arith.index_cast %scan3A_147 : i32 to index
      %swap3A_151 = arith.constant 16 : index
      %swap3A_152 = tpu.vector_load %arg6[%swap3A_150, %swap3A_151] {strides = array<i32>} : memref<96x256xf32, #tpu.memory_space<vmem>>, vector<16xf32>,
      tpu.vector_store %arg6[%swap3A_150, %swap3A_151], %broadcast_in_dim3A_5 {strides = array<i32>} : memref<96x256xf32, #tpu.memory_space<vmem>>, vector<16xf32>,
      %swap3A_153 = arith.index_cast %scan3A_147 : i32 to index
      %swap3A_154 = arith.constant 32 : index
      %swap3A_155 = tpu.vector_load %arg6[%swap3A_153, %swap3A_154] {strides = array<i32>} : memref<96x256xf32, #tpu.memory_space<vmem>>, vector<16xf32>,
      tpu.vector_store %arg6[%swap3A_153, %swap3A_154], %broadcast_in_dim3A_5 {strides = array<i32>} : memref<96x256xf32, #tpu.memory_space<vmem>>, vector<16xf32>,
      %swap3A_156 = arith.index_cast %scan3A_147 : i32 to index
      %swap3A_157 = arith.constant 48 : index
      %swap3A_158 = tpu.vector_load %arg6[%swap3A_156, %swap3A_157] {strides = array<i32>} : memref<96x256xf32, #tpu.memory_space<vmem>>, vector<16xf32>,
      tpu.vector_store %arg6[%swap3A_156, %swap3A_157], %broadcast_in_dim3A_5 {strides = array<i32>} : memref<96x256xf32, #tpu.memory_space<vmem>>, vector<16xf32>,
      %swap3A_159 = arith.index_cast %scan3A_147 : i32 to index
      %swap3A_160 = arith.constant 64 : index
      %swap3A_161 = tpu.vector_load %arg6[%swap3A_159, %swap3A_160] {strides = array<i32>} : memref<96x256xf32, #tpu.memory_space<vmem>>, vector<16xf32>,
      tpu.vector_store %arg6[%swap3A_159, %swap3A_160], %broadcast_in_dim3A_5 {strides = array<i32>} : memref<96x256xf32, #tpu.memory_space<vmem>>, vector<16xf32>,
      %swap3A_162 = arith.index_cast %scan3A_147 : i32 to index
      %swap3A_163 = arith.constant 80 : index
      %swap3A_164 = tpu.vector_load %arg6[%swap3A_162, %swap3A_163] {strides = array<i32>} : memref<96x256xf32, #tpu.memory_space<vmem>>, vector<16xf32>,
      tpu.vector_store %arg6[%swap3A_162, %swap3A_163], %broadcast_in_dim3A_5 {strides = array<i32>} : memref<96x256xf32, #tpu.memory_space<vmem>>, vector<16xf32>,
      %swap3A_165 = arith.index_cast %scan3A_147 : i32 to index
      %swap3A_166 = arith.constant 96 : index
      %swap3A_167 = tpu.vector_load %arg6[%swap3A_165, %swap3A_166] {strides = array<i32>} : memref<96x256xf32, #tpu.memory_space<vmem>>, vector<16xf32>,
      tpu.vector_store %arg6[%swap3A_165, %swap3A_166], %broadcast_in_dim3A_5 {strides = array<i32>} : memref<96x256xf32, #tpu.memory_space<vmem>>, vector<16xf32>,
      %swap3A_168 = arith.index_cast %scan3A_147 : i32 to index
      %swap3A_169 = arith.constant 112 : index
      %swap3A_170 = tpu.vector_load %arg6[%swap3A_168, %swap3A_169] {strides = array<i32>} : memref<96x256xf32, #tpu.memory_space<vmem>>, vector<16xf32>,
      tpu.vector_store %arg6[%swap3A_168, %swap3A_169], %broadcast_in_dim3A_5 {strides = array<i32>} : memref<96x256xf32, #tpu.memory_space<vmem>>, vector<16xf32>,
      %swap3A_171 = arith.index_cast %scan3A_147 : i32 to index
      %swap3A_172 = arith.constant 128 : index
      %swap3A_173 = tpu.vector_load %arg6[%swap3A_171, %swap3A_172] {strides = array<i32>} : memref<96x256xf32, #tpu.memory_space<vmem>>, vector<16xf32>,
      tpu.vector_store %arg6[%swap3A_171, %swap3A_172], %broadcast_in_dim3A_5 {strides = array<i32>} : memref<96x256xf32, #tpu.memory_space<vmem>>, vector<16xf32>,
      %swap3A_174 = arith.index_cast %scan3A_147 : i32 to index
      %swap3A_175 = arith.constant 144 : index
      %swap3A_176 = tpu.vector_load %arg6[%swap3A_174, %swap3A_175] {strides = array<i32>} : memref<96x256xf32, #tpu.memory_space<vmem>>, vector<16xf32>,
      tpu.vector_store %arg6[%swap3A_174, %swap3A_175], %broadcast_in_dim3A_5 {strides = array<i32>} : memref<96x256xf32, #tpu.memory_space<vmem>>, vector<16xf32>,
      %swap3A_177 = arith.index_cast %scan3A_147 : i32 to index
      %swap3A_178 = arith.constant 160 : index
      %swap3A_179 = tpu.vector_load %arg6[%swap3A_177, %swap3A_178] {strides = array<i32>} : memref<96x256xf32, #tpu.memory_space<vmem>>, vector<16xf32>,
      tpu.vector_store %arg6[%swap3A_177, %swap3A_178], %broadcast_in_dim3A_5 {strides = array<i32>} : memref<96x256xf32, #tpu.memory_space<vmem>>, vector<16xf32>,
      %swap3A_180 = arith.index_cast %scan3A_147 : i32 to index
      %swap3A_181 = arith.constant 176 : index
      %swap3A_182 = tpu.vector_load %arg6[%swap3A_180, %swap3A_181] {strides = array<i32>} : memref<96x256xf32, #tpu.memory_space<vmem>>, vector<16xf32>,
      tpu.vector_store %arg6[%swap3A_180, %swap3A_181], %broadcast_in_dim3A_5 {strides = array<i32>} : memref<96x256xf32, #tpu.memory_space<vmem>>, vector<16xf32>,
      %swap3A_183 = arith.index_cast %scan3A_147 : i32 to index
      %swap3A_184 = arith.constant 192 : index
      %swap3A_185 = tpu.vector_load %arg6[%swap3A_183, %swap3A_184] {strides = array<i32>} : memref<96x256xf32, #tpu.memory_space<vmem>>, vector<16xf32>,
      tpu.vector_store %arg6[%swap3A_183, %swap3A_184], %broadcast_in_dim3A_5 {strides = array<i32>} : memref<96x256xf32, #tpu.memory_space<vmem>>, vector<16xf32>,
      %swap3A_186 = arith.index_cast %scan3A_147 : i32 to index
      %swap3A_187 = arith.constant 208 : index
      %swap3A_188 = tpu.vector_load %arg6[%swap3A_186, %swap3A_187] {strides = array<i32>} : memref<96x256xf32, #tpu.memory_space<vmem>>, vector<16xf32>,
      tpu.vector_store %arg6[%swap3A_186, %swap3A_187], %broadcast_in_dim3A_5 {strides = array<i32>} : memref<96x256xf32, #tpu.memory_space<vmem>>, vector<16xf32>,
      %swap3A_189 = arith.index_cast %scan3A_147 : i32 to index
      %swap3A_190 = arith.constant 224 : index
      %swap3A_191 = tpu.vector_load %arg6[%swap3A_189, %swap3A_190] {strides = array<i32>} : memref<96x256xf32, #tpu.memory_space<vmem>>, vector<16xf32>,
      tpu.vector_store %arg6[%swap3A_189, %swap3A_190], %broadcast_in_dim3A_5 {strides = array<i32>} : memref<96x256xf32, #tpu.memory_space<vmem>>, vector<16xf32>,
      %swap3A_192 = arith.index_cast %scan3A_147 : i32 to index
      %swap3A_193 = arith.constant 240 : index
      %swap3A_194 = tpu.vector_load %arg6[%swap3A_192, %swap3A_193] {strides = array<i32>} : memref<96x256xf32, #tpu.memory_space<vmem>>, vector<16xf32>,
      tpu.vector_store %arg6[%swap3A_192, %swap3A_193], %broadcast_in_dim3A_5 {strides = array<i32>} : memref<96x256xf32, #tpu.memory_space<vmem>>, vector<16xf32>,
      %scan3A_195 = arith.constant 1 : i32
      %scan3A_196 = arith.addi %scan3A_147, %scan3A_195 : i32
      %swap3A_197 = arith.index_cast %scan3A_196 : i32 to index
      %swap3A_198 = arith.constant 0 : index
      %swap3A_199 = tpu.vector_load %arg6[%swap3A_197, %swap3A_198] {strides = array<i32>} : memref<96x256xf32, #tpu.memory_space<vmem>>, vector<16xf32>,
      tpu.vector_store %arg6[%swap3A_197, %swap3A_198], %broadcast_in_dim3A_5 {strides = array<i32>} : memref<96x256xf32, #tpu.memory_space<vmem>>, vector<16xf32>,
      %swap3A_200 = arith.index_cast %scan3A_196 : i32 to index
      %swap3A_201 = arith.constant 16 : index
      %swap3A_202 = tpu.vector_load %arg6[%swap3A_200, %swap3A_201] {strides = array<i32>} : memref<96x256xf32, #tpu.memory_space<vmem>>, vector<16xf32>,
      tpu.vector_store %arg6[%swap3A_200, %swap3A_201], %broadcast_in_dim3A_5 {strides = array<i32>} : memref<96x256xf32, #tpu.memory_space<vmem>>, vector<16xf32>,
      %swap3A_203 = arith.index_cast %scan3A_196 : i32 to index
      %swap3A_204 = arith.constant 32 : index
      %swap3A_205 = tpu.vector_load %arg6[%swap3A_203, %swap3A_204] {strides = array<i32>} : memref<96x256xf32, #tpu.memory_space<vmem>>, vector<16xf32>,
      tpu.vector_store %arg6[%swap3A_203, %swap3A_204], %broadcast_in_dim3A_5 {strides = array<i32>} : memref<96x256xf32, #tpu.memory_space<vmem>>, vector<16xf32>,
      %swap3A_206 = arith.index_cast %scan3A_196 : i32 to index
      %swap3A_207 = arith.constant 48 : index
      %swap3A_208 = tpu.vector_load %arg6[%swap3A_206, %swap3A_207] {strides = array<i32>} : memref<96x256xf32, #tpu.memory_space<vmem>>, vector<16xf32>,
      tpu.vector_store %arg6[%swap3A_206, %swap3A_207], %broadcast_in_dim3A_5 {strides = array<i32>} : memref<96x256xf32, #tpu.memory_space<vmem>>, vector<16xf32>,
      %swap3A_209 = arith.index_cast %scan3A_196 : i32 to index
      %swap3A_210 = arith.constant 64 : index
      %swap3A_211 = tpu.vector_load %arg6[%swap3A_209, %swap3A_210] {strides = array<i32>} : memref<96x256xf32, #tpu.memory_space<vmem>>, vector<16xf32>,
      tpu.vector_store %arg6[%swap3A_209, %swap3A_210], %broadcast_in_dim3A_5 {strides = array<i32>} : memref<96x256xf32, #tpu.memory_space<vmem>>, vector<16xf32>,
      %swap3A_212 = arith.index_cast %scan3A_196 : i32 to index
      %swap3A_213 = arith.constant 80 : index
      %swap3A_214 = tpu.vector_load %arg6[%swap3A_212, %swap3A_213] {strides = array<i32>} : memref<96x256xf32, #tpu.memory_space<vmem>>, vector<16xf32>,
      tpu.vector_store %arg6[%swap3A_212, %swap3A_213], %broadcast_in_dim3A_5 {strides = array<i32>} : memref<96x256xf32, #tpu.memory_space<vmem>>, vector<16xf32>,
      %swap3A_215 = arith.index_cast %scan3A_196 : i32 to index
      %swap3A_216 = arith.constant 96 : index
      %swap3A_217 = tpu.vector_load %arg6[%swap3A_215, %swap3A_216] {strides = array<i32>} : memref<96x256xf32, #tpu.memory_space<vmem>>, vector<16xf32>,
      tpu.vector_store %arg6[%swap3A_215, %swap3A_216], %broadcast_in_dim3A_5 {strides = array<i32>} : memref<96x256xf32, #tpu.memory_space<vmem>>, vector<16xf32>,
      %swap3A_218 = arith.index_cast %scan3A_196 : i32 to index
      %swap3A_219 = arith.constant 112 : index
      %swap3A_220 = tpu.vector_load %arg6[%swap3A_218, %swap3A_219] {strides = array<i32>} : memref<96x256xf32, #tpu.memory_space<vmem>>, vector<16xf32>,
      tpu.vector_store %arg6[%swap3A_218, %swap3A_219], %broadcast_in_dim3A_5 {strides = array<i32>} : memref<96x256xf32, #tpu.memory_space<vmem>>, vector<16xf32>,
      %swap3A_221 = arith.index_cast %scan3A_196 : i32 to index
      %swap3A_222 = arith.constant 128 : index
      %swap3A_223 = tpu.vector_load %arg6[%swap3A_221, %swap3A_222] {strides = array<i32>} : memref<96x256xf32, #tpu.memory_space<vmem>>, vector<16xf32>,
      tpu.vector_store %arg6[%swap3A_221, %swap3A_222], %broadcast_in_dim3A_5 {strides = array<i32>} : memref<96x256xf32, #tpu.memory_space<vmem>>, vector<16xf32>,
      %swap3A_224 = arith.index_cast %scan3A_196 : i32 to index
      %swap3A_225 = arith.constant 144 : index
      %swap3A_226 = tpu.vector_load %arg6[%swap3A_224, %swap3A_225] {strides = array<i32>} : memref<96x256xf32, #tpu.memory_space<vmem>>, vector<16xf32>,
      tpu.vector_store %arg6[%swap3A_224, %swap3A_225], %broadcast_in_dim3A_5 {strides = array<i32>} : memref<96x256xf32, #tpu.memory_space<vmem>>, vector<16xf32>,
      %swap3A_227 = arith.index_cast %scan3A_196 : i32 to index
      %swap3A_228 = arith.constant 160 : index
      %swap3A_229 = tpu.vector_load %arg6[%swap3A_227, %swap3A_228] {strides = array<i32>} : memref<96x256xf32, #tpu.memory_space<vmem>>, vector<16xf32>,
      tpu.vector_store %arg6[%swap3A_227, %swap3A_228], %broadcast_in_dim3A_5 {strides = array<i32>} : memref<96x256xf32, #tpu.memory_space<vmem>>, vector<16xf32>,
      %swap3A_230 = arith.index_cast %scan3A_196 : i32 to index
      %swap3A_231 = arith.constant 176 : index
      %swap3A_232 = tpu.vector_load %arg6[%swap3A_230, %swap3A_231] {strides = array<i32>} : memref<96x256xf32, #tpu.memory_space<vmem>>, vector<16xf32>,
      tpu.vector_store %arg6[%swap3A_230, %swap3A_231], %broadcast_in_dim3A_5 {strides = array<i32>} : memref<96x256xf32, #tpu.memory_space<vmem>>, vector<16xf32>,
      %swap3A_233 = arith.index_cast %scan3A_196 : i32 to index
      %swap3A_234 = arith.constant 192 : index
      %swap3A_235 = tpu.vector_load %arg6[%swap3A_233, %swap3A_234] {strides = array<i32>} : memref<96x256xf32, #tpu.memory_space<vmem>>, vector<16xf32>,
      tpu.vector_store %arg6[%swap3A_233, %swap3A_234], %broadcast_in_dim3A_5 {strides = array<i32>} : memref<96x256xf32, #tpu.memory_space<vmem>>, vector<16xf32>,
      %swap3A_236 = arith.index_cast %scan3A_196 : i32 to index
      %swap3A_237 = arith.constant 208 : index
      %swap3A_238 = tpu.vector_load %arg6[%swap3A_236, %swap3A_237] {strides = array<i32>} : memref<96x256xf32, #tpu.memory_space<vmem>>, vector<16xf32>,
      tpu.vector_store %arg6[%swap3A_236, %swap3A_237], %broadcast_in_dim3A_5 {strides = array<i32>} : memref<96x256xf32, #tpu.memory_space<vmem>>, vector<16xf32>,
      %swap3A_239 = arith.index_cast %scan3A_196 : i32 to index
      %swap3A_240 = arith.constant 224 : index
      %swap3A_241 = tpu.vector_load %arg6[%swap3A_239, %swap3A_240] {strides = array<i32>} : memref<96x256xf32, #tpu.memory_space<vmem>>, vector<16xf32>,
      tpu.vector_store %arg6[%swap3A_239, %swap3A_240], %broadcast_in_dim3A_5 {strides = array<i32>} : memref<96x256xf32, #tpu.memory_space<vmem>>, vector<16xf32>,
      %swap3A_242 = arith.index_cast %scan3A_196 : i32 to index
      %swap3A_243 = arith.constant 240 : index
      %swap3A_244 = tpu.vector_load %arg6[%swap3A_242, %swap3A_243] {strides = array<i32>} : memref<96x256xf32, #tpu.memory_space<vmem>>, vector<16xf32>,
      tpu.vector_store %arg6[%swap3A_242, %swap3A_243], %broadcast_in_dim3A_5 {strides = array<i32>} : memref<96x256xf32, #tpu.memory_space<vmem>>, vector<16xf32>,
    }
    %scan3A_15 = arith.constant 96 : i32
    %add3A_16 = arith.constant 128 : i32
    %add3A_17 = arith.addi %add3A_4, %add3A_16 : i32
    %dma_start3A_18 = arith.constant 0 : i32
    %dma_start3A_19 = tpu.memref_slice %arg2[%dma_start3A_18, %add3A_17] : memref<200x16384xi32, #tpu.memory_space<hbm>> -> memref<200x128xi32, #tpu.memory_space<hbm>>
    %dma_start3A_20 = arith.constant 0 : i32
    %dma_start3A_21 = tpu.memref_slice %arg2[%dma_start3A_20, %add3A_17] : memref<200x16384xi32, #tpu.memory_space<hbm>> -> memref<200x128xi32, #tpu.memory_space<hbm>>
    tpu.enqueue_dma source(%dma_start3A_21 : memref<200x128xi32, #tpu.memory_space<hbm>>) target(%arg5 : memref<200x128xi32, #tpu.memory_space<vmem>>) target_semaphore(%arg8 : memref<!tpu.dma_semaphore, #tpu.memory_space<semaphore_mem>>)
    %dma_wait3A = arith.constant 0 : i32
    %dma_wait3A_22 = tpu.memref_slice %arg2[%dma_wait3A, %add3A_4] : memref<200x16384xi32, #tpu.memory_space<hbm>> -> memref<200x128xi32, #tpu.memory_space<hbm>>
    %dma_wait3A_23 = arith.constant 0 : i32
    %dma_wait3A_24 = tpu.memref_slice %arg2[%dma_wait3A_23, %add3A_4] : memref<200x16384xi32, #tpu.memory_space<hbm>> -> memref<200x128xi32, #tpu.memory_space<hbm>>
    tpu.wait_dma2 semaphore(%arg7 : memref<!tpu.dma_semaphore, #tpu.memory_space<semaphore_mem>>) src(%dma_wait3A_24 : memref<200x128xi32, #tpu.memory_space<hbm>>) dst(%arg4 : memref<200x128xi32, #tpu.memory_space<vmem>>)
    %add3A_25 = arith.constant 0 : i32
    %add3A_26 = vector.broadcast %add3A_25 : i32 to vector<16xi32>
    %add3A_27 = arith.addi %add3A_26, %iota3A : vector<16xi32>
    %add3A_28 = arith.constant 16 : i32
    %add3A_29 = vector.broadcast %add3A_28 : i32 to vector<16xi32>
    %add3A_30 = arith.addi %add3A_29, %iota3A : vector<16xi32>
    %add3A_31 = arith.constant 32 : i32
    %add3A_32 = vector.broadcast %add3A_31 : i32 to vector<16xi32>
    %add3A_33 = arith.addi %add3A_32, %iota3A : vector<16xi32>
    %add3A_34 = arith.constant 48 : i32
    %add3A_35 = vector.broadcast %add3A_34 : i32 to vector<16xi32>
    %add3A_36 = arith.addi %add3A_35, %iota3A : vector<16xi32>
    %add3A_37 = arith.constant 64 : i32
    %add3A_38 = vector.broadcast %add3A_37 : i32 to vector<16xi32>
    %add3A_39 = arith.addi %add3A_38, %iota3A : vector<16xi32>
    %add3A_40 = arith.constant 80 : i32
    %add3A_41 = vector.broadcast %add3A_40 : i32 to vector<16xi32>
    %add3A_42 = arith.addi %add3A_41, %iota3A : vector<16xi32>
    %add3A_43 = arith.constant 96 : i32
    %add3A_44 = vector.broadcast %add3A_43 : i32 to vector<16xi32>
    %add3A_45 = arith.addi %add3A_44, %iota3A : vector<16xi32>
    %add3A_46 = arith.constant 112 : i32
    %add3A_47 = vector.broadcast %add3A_46 : i32 to vector<16xi32>
    %add3A_48 = arith.addi %add3A_47, %iota3A : vector<16xi32>
    %add3A_49 = arith.constant 0 : i32
    %add3A_50 = vector.broadcast %add3A_49 : i32 to vector<16xi32>
    %add3A_51 = arith.addi %add3A_50, %iota3A : vector<16xi32>
    %add3A_52 = arith.constant 16 : i32
    %add3A_53 = vector.broadcast %add3A_52 : i32 to vector<16xi32>
    %add3A_54 = arith.addi %add3A_53, %iota3A : vector<16xi32>
    %add3A_55 = arith.constant 32 : i32
    %add3A_56 = vector.broadcast %add3A_55 : i32 to vector<16xi32>
    %add3A_57 = arith.addi %add3A_56, %iota3A : vector<16xi32>
    %add3A_58 = arith.constant 48 : i32
    %add3A_59 = vector.broadcast %add3A_58 : i32 to vector<16xi32>
    %add3A_60 = arith.addi %add3A_59, %iota3A : vector<16xi32>
    %add3A_61 = arith.constant 64 : i32
    %add3A_62 = vector.broadcast %add3A_61 : i32 to vector<16xi32>
    %add3A_63 = arith.addi %add3A_62, %iota3A : vector<16xi32>
    %add3A_64 = arith.constant 80 : i32
    %add3A_65 = vector.broadcast %add3A_64 : i32 to vector<16xi32>
    %add3A_66 = arith.addi %add3A_65, %iota3A : vector<16xi32>
    %add3A_67 = arith.constant 96 : i32
    %add3A_68 = vector.broadcast %add3A_67 : i32 to vector<16xi32>
    %add3A_69 = arith.addi %add3A_68, %iota3A : vector<16xi32>
    %add3A_70 = arith.constant 112 : i32
    %add3A_71 = vector.broadcast %add3A_70 : i32 to vector<16xi32>
    %add3A_72 = arith.addi %add3A_71, %iota3A : vector<16xi32>
    %scan3A_73 = arith.constant 0 : i32
    %scan3A_74 = arith.constant 0 : i32
    %scan3A_75 = arith.constant 200 : i32
    %scan3A_76 = arith.addi %scan3A_74, %scan3A_75 : i32
    %scan3A_77 = arith.constant 2 : i32
    scf.for %scan3A_147 = %scan3A_74 to %scan3A_76 step %scan3A_77  : i32 {
      %broadcast_in_dim3A_148 = arith.constant 0 : i32
      %broadcast_in_dim3A_149 = vector.broadcast %broadcast_in_dim3A_148 : i32 to vector<16xi32>
      %add3A_150 = vector.broadcast %scan3A_147 : i32 to vector<16xi32>
      %add3A_151 = arith.addi %broadcast_in_dim3A_149, %add3A_150 : vector<16xi32>
      %gather3A = tpu.vector_load_idx %arg4[%add3A_151, %add3A_51] : memref<200x128xi32, #tpu.memory_space<vmem>>[vector<16xi32>, vector<16xi32>], vector<16xi32>,
      %gather3A_152 = tpu.vector_load_idx %arg4[%add3A_151, %add3A_54] : memref<200x128xi32, #tpu.memory_space<vmem>>[vector<16xi32>, vector<16xi32>], vector<16xi32>,
      %gather3A_153 = tpu.vector_load_idx %arg4[%add3A_151, %add3A_57] : memref<200x128xi32, #tpu.memory_space<vmem>>[vector<16xi32>, vector<16xi32>], vector<16xi32>,
      %gather3A_154 = tpu.vector_load_idx %arg4[%add3A_151, %add3A_60] : memref<200x128xi32, #tpu.memory_space<vmem>>[vector<16xi32>, vector<16xi32>], vector<16xi32>,
      %gather3A_155 = tpu.vector_load_idx %arg4[%add3A_151, %add3A_63] : memref<200x128xi32, #tpu.memory_space<vmem>>[vector<16xi32>, vector<16xi32>], vector<16xi32>,
      %gather3A_156 = tpu.vector_load_idx %arg4[%add3A_151, %add3A_66] : memref<200x128xi32, #tpu.memory_space<vmem>>[vector<16xi32>, vector<16xi32>], vector<16xi32>,
      %gather3A_157 = tpu.vector_load_idx %arg4[%add3A_151, %add3A_69] : memref<200x128xi32, #tpu.memory_space<vmem>>[vector<16xi32>, vector<16xi32>], vector<16xi32>,
      %gather3A_158 = tpu.vector_load_idx %arg4[%add3A_151, %add3A_72] : memref<200x128xi32, #tpu.memory_space<vmem>>[vector<16xi32>, vector<16xi32>], vector<16xi32>,
      tpu.vector_store_idx %arg6[%gather3A, %add3A_27], %broadcast_in_dim3A_7 {add = true} : memref<96x256xf32, #tpu.memory_space<vmem>>[vector<16xi32>, vector<16xi32>], vector<16xf32>,
      tpu.vector_store_idx %arg6[%gather3A_152, %add3A_30], %broadcast_in_dim3A_7 {add = true} : memref<96x256xf32, #tpu.memory_space<vmem>>[vector<16xi32>, vector<16xi32>], vector<16xf32>,
      tpu.vector_store_idx %arg6[%gather3A_153, %add3A_33], %broadcast_in_dim3A_7 {add = true} : memref<96x256xf32, #tpu.memory_space<vmem>>[vector<16xi32>, vector<16xi32>], vector<16xf32>,
      tpu.vector_store_idx %arg6[%gather3A_154, %add3A_36], %broadcast_in_dim3A_7 {add = true} : memref<96x256xf32, #tpu.memory_space<vmem>>[vector<16xi32>, vector<16xi32>], vector<16xf32>,
      tpu.vector_store_idx %arg6[%gather3A_155, %add3A_39], %broadcast_in_dim3A_7 {add = true} : memref<96x256xf32, #tpu.memory_space<vmem>>[vector<16xi32>, vector<16xi32>], vector<16xf32>,
      tpu.vector_store_idx %arg6[%gather3A_156, %add3A_42], %broadcast_in_dim3A_7 {add = true} : memref<96x256xf32, #tpu.memory_space<vmem>>[vector<16xi32>, vector<16xi32>], vector<16xf32>,
      tpu.vector_store_idx %arg6[%gather3A_157, %add3A_45], %broadcast_in_dim3A_7 {add = true} : memref<96x256xf32, #tpu.memory_space<vmem>>[vector<16xi32>, vector<16xi32>], vector<16xf32>,
      tpu.vector_store_idx %arg6[%gather3A_158, %add3A_48], %broadcast_in_dim3A_7 {add = true} : memref<96x256xf32, #tpu.memory_space<vmem>>[vector<16xi32>, vector<16xi32>], vector<16xf32>,
      %scan3A_159 = arith.constant 1 : i32
      %scan3A_160 = arith.addi %scan3A_147, %scan3A_159 : i32
      %broadcast_in_dim3A_161 = arith.constant 0 : i32
      %broadcast_in_dim3A_162 = vector.broadcast %broadcast_in_dim3A_161 : i32 to vector<16xi32>
      %add3A_163 = vector.broadcast %scan3A_160 : i32 to vector<16xi32>
      %add3A_164 = arith.addi %broadcast_in_dim3A_162, %add3A_163 : vector<16xi32>
      %gather3A_165 = tpu.vector_load_idx %arg4[%add3A_164, %add3A_51] : memref<200x128xi32, #tpu.memory_space<vmem>>[vector<16xi32>, vector<16xi32>], vector<16xi32>,
      %gather3A_166 = tpu.vector_load_idx %arg4[%add3A_164, %add3A_54] : memref<200x128xi32, #tpu.memory_space<vmem>>[vector<16xi32>, vector<16xi32>], vector<16xi32>,
      %gather3A_167 = tpu.vector_load_idx %arg4[%add3A_164, %add3A_57] : memref<200x128xi32, #tpu.memory_space<vmem>>[vector<16xi32>, vector<16xi32>], vector<16xi32>,
      %gather3A_168 = tpu.vector_load_idx %arg4[%add3A_164, %add3A_60] : memref<200x128xi32, #tpu.memory_space<vmem>>[vector<16xi32>, vector<16xi32>], vector<16xi32>,
      %gather3A_169 = tpu.vector_load_idx %arg4[%add3A_164, %add3A_63] : memref<200x128xi32, #tpu.memory_space<vmem>>[vector<16xi32>, vector<16xi32>], vector<16xi32>,
      %gather3A_170 = tpu.vector_load_idx %arg4[%add3A_164, %add3A_66] : memref<200x128xi32, #tpu.memory_space<vmem>>[vector<16xi32>, vector<16xi32>], vector<16xi32>,
      %gather3A_171 = tpu.vector_load_idx %arg4[%add3A_164, %add3A_69] : memref<200x128xi32, #tpu.memory_space<vmem>>[vector<16xi32>, vector<16xi32>], vector<16xi32>,
      %gather3A_172 = tpu.vector_load_idx %arg4[%add3A_164, %add3A_72] : memref<200x128xi32, #tpu.memory_space<vmem>>[vector<16xi32>, vector<16xi32>], vector<16xi32>,
      tpu.vector_store_idx %arg6[%gather3A_165, %add3A_27], %broadcast_in_dim3A_7 {add = true} : memref<96x256xf32, #tpu.memory_space<vmem>>[vector<16xi32>, vector<16xi32>], vector<16xf32>,
      tpu.vector_store_idx %arg6[%gather3A_166, %add3A_30], %broadcast_in_dim3A_7 {add = true} : memref<96x256xf32, #tpu.memory_space<vmem>>[vector<16xi32>, vector<16xi32>], vector<16xf32>,
      tpu.vector_store_idx %arg6[%gather3A_167, %add3A_33], %broadcast_in_dim3A_7 {add = true} : memref<96x256xf32, #tpu.memory_space<vmem>>[vector<16xi32>, vector<16xi32>], vector<16xf32>,
      tpu.vector_store_idx %arg6[%gather3A_168, %add3A_36], %broadcast_in_dim3A_7 {add = true} : memref<96x256xf32, #tpu.memory_space<vmem>>[vector<16xi32>, vector<16xi32>], vector<16xf32>,
      tpu.vector_store_idx %arg6[%gather3A_169, %add3A_39], %broadcast_in_dim3A_7 {add = true} : memref<96x256xf32, #tpu.memory_space<vmem>>[vector<16xi32>, vector<16xi32>], vector<16xf32>,
      tpu.vector_store_idx %arg6[%gather3A_170, %add3A_42], %broadcast_in_dim3A_7 {add = true} : memref<96x256xf32, #tpu.memory_space<vmem>>[vector<16xi32>, vector<16xi32>], vector<16xf32>,
      tpu.vector_store_idx %arg6[%gather3A_171, %add3A_45], %broadcast_in_dim3A_7 {add = true} : memref<96x256xf32, #tpu.memory_space<vmem>>[vector<16xi32>, vector<16xi32>], vector<16xf32>,
      tpu.vector_store_idx %arg6[%gather3A_172, %add3A_48], %broadcast_in_dim3A_7 {add = true} : memref<96x256xf32, #tpu.memory_space<vmem>>[vector<16xi32>, vector<16xi32>], vector<16xf32>,
    }
    %scan3A_78 = arith.constant 200 : i32
    %dma_wait3A_79 = arith.constant 0 : i32
    %dma_wait3A_80 = tpu.memref_slice %arg2[%dma_wait3A_79, %add3A_17] : memref<200x16384xi32, #tpu.memory_space<hbm>> -> memref<200x128xi32, #tpu.memory_space<hbm>>
    %dma_wait3A_81 = arith.constant 0 : i32
    %dma_wait3A_82 = tpu.memref_slice %arg2[%dma_wait3A_81, %add3A_17] : memref<200x16384xi32, #tpu.memory_space<hbm>> -> memref<200x128xi32, #tpu.memory_space<hbm>>
    tpu.wait_dma2 semaphore(%arg8 : memref<!tpu.dma_semaphore, #tpu.memory_space<semaphore_mem>>) src(%dma_wait3A_82 : memref<200x128xi32, #tpu.memory_space<hbm>>) dst(%arg5 : memref<200x128xi32, #tpu.memory_space<vmem>>)
    %add3A_83 = arith.constant 128 : i32
    %add3A_84 = vector.broadcast %add3A_83 : i32 to vector<16xi32>
    %add3A_85 = arith.addi %add3A_84, %iota3A : vector<16xi32>
    %add3A_86 = arith.constant 144 : i32
    %add3A_87 = vector.broadcast %add3A_86 : i32 to vector<16xi32>
    %add3A_88 = arith.addi %add3A_87, %iota3A : vector<16xi32>
    %add3A_89 = arith.constant 160 : i32
    %add3A_90 = vector.broadcast %add3A_89 : i32 to vector<16xi32>
    %add3A_91 = arith.addi %add3A_90, %iota3A : vector<16xi32>
    %add3A_92 = arith.constant 176 : i32
    %add3A_93 = vector.broadcast %add3A_92 : i32 to vector<16xi32>
    %add3A_94 = arith.addi %add3A_93, %iota3A : vector<16xi32>
    %add3A_95 = arith.constant 192 : i32
    %add3A_96 = vector.broadcast %add3A_95 : i32 to vector<16xi32>
    %add3A_97 = arith.addi %add3A_96, %iota3A : vector<16xi32>
    %add3A_98 = arith.constant 208 : i32
    %add3A_99 = vector.broadcast %add3A_98 : i32 to vector<16xi32>
    %add3A_100 = arith.addi %add3A_99, %iota3A : vector<16xi32>
    %add3A_101 = arith.constant 224 : i32
    %add3A_102 = vector.broadcast %add3A_101 : i32 to vector<16xi32>
    %add3A_103 = arith.addi %add3A_102, %iota3A : vector<16xi32>
    %add3A_104 = arith.constant 240 : i32
    %add3A_105 = vector.broadcast %add3A_104 : i32 to vector<16xi32>
    %add3A_106 = arith.addi %add3A_105, %iota3A : vector<16xi32>
    %add3A_107 = arith.constant 0 : i32
    %add3A_108 = vector.broadcast %add3A_107 : i32 to vector<16xi32>
    %add3A_109 = arith.addi %add3A_108, %iota3A : vector<16xi32>
    %add3A_110 = arith.constant 16 : i32
    %add3A_111 = vector.broadcast %add3A_110 : i32 to vector<16xi32>
    %add3A_112 = arith.addi %add3A_111, %iota3A : vector<16xi32>
    %add3A_113 = arith.constant 32 : i32
    %add3A_114 = vector.broadcast %add3A_113 : i32 to vector<16xi32>
    %add3A_115 = arith.addi %add3A_114, %iota3A : vector<16xi32>
    %add3A_116 = arith.constant 48 : i32
    %add3A_117 = vector.broadcast %add3A_116 : i32 to vector<16xi32>
    %add3A_118 = arith.addi %add3A_117, %iota3A : vector<16xi32>
    %add3A_119 = arith.constant 64 : i32
    %add3A_120 = vector.broadcast %add3A_119 : i32 to vector<16xi32>
    %add3A_121 = arith.addi %add3A_120, %iota3A : vector<16xi32>
    %add3A_122 = arith.constant 80 : i32
    %add3A_123 = vector.broadcast %add3A_122 : i32 to vector<16xi32>
    %add3A_124 = arith.addi %add3A_123, %iota3A : vector<16xi32>
    %add3A_125 = arith.constant 96 : i32
    %add3A_126 = vector.broadcast %add3A_125 : i32 to vector<16xi32>
    %add3A_127 = arith.addi %add3A_126, %iota3A : vector<16xi32>
    %add3A_128 = arith.constant 112 : i32
    %add3A_129 = vector.broadcast %add3A_128 : i32 to vector<16xi32>
    %add3A_130 = arith.addi %add3A_129, %iota3A : vector<16xi32>
    %scan3A_131 = arith.constant 0 : i32
    %scan3A_132 = arith.constant 0 : i32
    %scan3A_133 = arith.constant 200 : i32
    %scan3A_134 = arith.addi %scan3A_132, %scan3A_133 : i32
    %scan3A_135 = arith.constant 2 : i32
    scf.for %scan3A_147 = %scan3A_132 to %scan3A_134 step %scan3A_135  : i32 {
      %broadcast_in_dim3A_148 = arith.constant 0 : i32
      %broadcast_in_dim3A_149 = vector.broadcast %broadcast_in_dim3A_148 : i32 to vector<16xi32>
      %add3A_150 = vector.broadcast %scan3A_147 : i32 to vector<16xi32>
      %add3A_151 = arith.addi %broadcast_in_dim3A_149, %add3A_150 : vector<16xi32>
      %gather3A = tpu.vector_load_idx %arg5[%add3A_151, %add3A_109] : memref<200x128xi32, #tpu.memory_space<vmem>>[vector<16xi32>, vector<16xi32>], vector<16xi32>,
      %gather3A_152 = tpu.vector_load_idx %arg5[%add3A_151, %add3A_112] : memref<200x128xi32, #tpu.memory_space<vmem>>[vector<16xi32>, vector<16xi32>], vector<16xi32>,
      %gather3A_153 = tpu.vector_load_idx %arg5[%add3A_151, %add3A_115] : memref<200x128xi32, #tpu.memory_space<vmem>>[vector<16xi32>, vector<16xi32>], vector<16xi32>,
      %gather3A_154 = tpu.vector_load_idx %arg5[%add3A_151, %add3A_118] : memref<200x128xi32, #tpu.memory_space<vmem>>[vector<16xi32>, vector<16xi32>], vector<16xi32>,
      %gather3A_155 = tpu.vector_load_idx %arg5[%add3A_151, %add3A_121] : memref<200x128xi32, #tpu.memory_space<vmem>>[vector<16xi32>, vector<16xi32>], vector<16xi32>,
      %gather3A_156 = tpu.vector_load_idx %arg5[%add3A_151, %add3A_124] : memref<200x128xi32, #tpu.memory_space<vmem>>[vector<16xi32>, vector<16xi32>], vector<16xi32>,
      %gather3A_157 = tpu.vector_load_idx %arg5[%add3A_151, %add3A_127] : memref<200x128xi32, #tpu.memory_space<vmem>>[vector<16xi32>, vector<16xi32>], vector<16xi32>,
      %gather3A_158 = tpu.vector_load_idx %arg5[%add3A_151, %add3A_130] : memref<200x128xi32, #tpu.memory_space<vmem>>[vector<16xi32>, vector<16xi32>], vector<16xi32>,
      tpu.vector_store_idx %arg6[%gather3A, %add3A_85], %broadcast_in_dim3A_7 {add = true} : memref<96x256xf32, #tpu.memory_space<vmem>>[vector<16xi32>, vector<16xi32>], vector<16xf32>,
      tpu.vector_store_idx %arg6[%gather3A_152, %add3A_88], %broadcast_in_dim3A_7 {add = true} : memref<96x256xf32, #tpu.memory_space<vmem>>[vector<16xi32>, vector<16xi32>], vector<16xf32>,
      tpu.vector_store_idx %arg6[%gather3A_153, %add3A_91], %broadcast_in_dim3A_7 {add = true} : memref<96x256xf32, #tpu.memory_space<vmem>>[vector<16xi32>, vector<16xi32>], vector<16xf32>,
      tpu.vector_store_idx %arg6[%gather3A_154, %add3A_94], %broadcast_in_dim3A_7 {add = true} : memref<96x256xf32, #tpu.memory_space<vmem>>[vector<16xi32>, vector<16xi32>], vector<16xf32>,
      tpu.vector_store_idx %arg6[%gather3A_155, %add3A_97], %broadcast_in_dim3A_7 {add = true} : memref<96x256xf32, #tpu.memory_space<vmem>>[vector<16xi32>, vector<16xi32>], vector<16xf32>,
      tpu.vector_store_idx %arg6[%gather3A_156, %add3A_100], %broadcast_in_dim3A_7 {add = true} : memref<96x256xf32, #tpu.memory_space<vmem>>[vector<16xi32>, vector<16xi32>], vector<16xf32>,
      tpu.vector_store_idx %arg6[%gather3A_157, %add3A_103], %broadcast_in_dim3A_7 {add = true} : memref<96x256xf32, #tpu.memory_space<vmem>>[vector<16xi32>, vector<16xi32>], vector<16xf32>,
      tpu.vector_store_idx %arg6[%gather3A_158, %add3A_106], %broadcast_in_dim3A_7 {add = true} : memref<96x256xf32, #tpu.memory_space<vmem>>[vector<16xi32>, vector<16xi32>], vector<16xf32>,
      %scan3A_159 = arith.constant 1 : i32
      %scan3A_160 = arith.addi %scan3A_147, %scan3A_159 : i32
      %broadcast_in_dim3A_161 = arith.constant 0 : i32
      %broadcast_in_dim3A_162 = vector.broadcast %broadcast_in_dim3A_161 : i32 to vector<16xi32>
      %add3A_163 = vector.broadcast %scan3A_160 : i32 to vector<16xi32>
      %add3A_164 = arith.addi %broadcast_in_dim3A_162, %add3A_163 : vector<16xi32>
      %gather3A_165 = tpu.vector_load_idx %arg5[%add3A_164, %add3A_109] : memref<200x128xi32, #tpu.memory_space<vmem>>[vector<16xi32>, vector<16xi32>], vector<16xi32>,
      %gather3A_166 = tpu.vector_load_idx %arg5[%add3A_164, %add3A_112] : memref<200x128xi32, #tpu.memory_space<vmem>>[vector<16xi32>, vector<16xi32>], vector<16xi32>,
      %gather3A_167 = tpu.vector_load_idx %arg5[%add3A_164, %add3A_115] : memref<200x128xi32, #tpu.memory_space<vmem>>[vector<16xi32>, vector<16xi32>], vector<16xi32>,
      %gather3A_168 = tpu.vector_load_idx %arg5[%add3A_164, %add3A_118] : memref<200x128xi32, #tpu.memory_space<vmem>>[vector<16xi32>, vector<16xi32>], vector<16xi32>,
      %gather3A_169 = tpu.vector_load_idx %arg5[%add3A_164, %add3A_121] : memref<200x128xi32, #tpu.memory_space<vmem>>[vector<16xi32>, vector<16xi32>], vector<16xi32>,
      %gather3A_170 = tpu.vector_load_idx %arg5[%add3A_164, %add3A_124] : memref<200x128xi32, #tpu.memory_space<vmem>>[vector<16xi32>, vector<16xi32>], vector<16xi32>,
      %gather3A_171 = tpu.vector_load_idx %arg5[%add3A_164, %add3A_127] : memref<200x128xi32, #tpu.memory_space<vmem>>[vector<16xi32>, vector<16xi32>], vector<16xi32>,
      %gather3A_172 = tpu.vector_load_idx %arg5[%add3A_164, %add3A_130] : memref<200x128xi32, #tpu.memory_space<vmem>>[vector<16xi32>, vector<16xi32>], vector<16xi32>,
      tpu.vector_store_idx %arg6[%gather3A_165, %add3A_85], %broadcast_in_dim3A_7 {add = true} : memref<96x256xf32, #tpu.memory_space<vmem>>[vector<16xi32>, vector<16xi32>], vector<16xf32>,
      tpu.vector_store_idx %arg6[%gather3A_166, %add3A_88], %broadcast_in_dim3A_7 {add = true} : memref<96x256xf32, #tpu.memory_space<vmem>>[vector<16xi32>, vector<16xi32>], vector<16xf32>,
      tpu.vector_store_idx %arg6[%gather3A_167, %add3A_91], %broadcast_in_dim3A_7 {add = true} : memref<96x256xf32, #tpu.memory_space<vmem>>[vector<16xi32>, vector<16xi32>], vector<16xf32>,
      tpu.vector_store_idx %arg6[%gather3A_168, %add3A_94], %broadcast_in_dim3A_7 {add = true} : memref<96x256xf32, #tpu.memory_space<vmem>>[vector<16xi32>, vector<16xi32>], vector<16xf32>,
      tpu.vector_store_idx %arg6[%gather3A_169, %add3A_97], %broadcast_in_dim3A_7 {add = true} : memref<96x256xf32, #tpu.memory_space<vmem>>[vector<16xi32>, vector<16xi32>], vector<16xf32>,
      tpu.vector_store_idx %arg6[%gather3A_170, %add3A_100], %broadcast_in_dim3A_7 {add = true} : memref<96x256xf32, #tpu.memory_space<vmem>>[vector<16xi32>, vector<16xi32>], vector<16xf32>,
      tpu.vector_store_idx %arg6[%gather3A_171, %add3A_103], %broadcast_in_dim3A_7 {add = true} : memref<96x256xf32, #tpu.memory_space<vmem>>[vector<16xi32>, vector<16xi32>], vector<16xf32>,
      tpu.vector_store_idx %arg6[%gather3A_172, %add3A_106], %broadcast_in_dim3A_7 {add = true} : memref<96x256xf32, #tpu.memory_space<vmem>>[vector<16xi32>, vector<16xi32>], vector<16xf32>,
    }
    %scan3A_136 = arith.constant 200 : i32
    %mul3A_137 = arith.constant 256 : i32
    %mul3A_138 = arith.muli %add3A, %mul3A_137 : i32
    %dma_start3A_139 = arith.constant 0 : i32
    %dma_start3A_140 = tpu.memref_slice %arg3[%dma_start3A_139, %mul3A_138] : memref<96x8192xf32, #tpu.memory_space<hbm>> -> memref<96x256xf32, #tpu.memory_space<hbm>>
    %dma_start3A_141 = arith.constant 0 : i32
    %dma_start3A_142 = tpu.memref_slice %arg3[%dma_start3A_141, %mul3A_138] : memref<96x8192xf32, #tpu.memory_space<hbm>> -> memref<96x256xf32, #tpu.memory_space<hbm>>
    tpu.enqueue_dma source(%arg6 : memref<96x256xf32, #tpu.memory_space<vmem>>) target(%dma_start3A_142 : memref<96x256xf32, #tpu.memory_space<hbm>>) target_semaphore(%arg9 : memref<!tpu.dma_semaphore, #tpu.memory_space<semaphore_mem>>)
    %dma_wait3A_143 = arith.constant 0 : i32
    %dma_wait3A_144 = tpu.memref_slice %arg3[%dma_wait3A_143, %mul3A_138] : memref<96x8192xf32, #tpu.memory_space<hbm>> -> memref<96x256xf32, #tpu.memory_space<hbm>>
    %dma_wait3A_145 = arith.constant 0 : i32
    %dma_wait3A_146 = tpu.memref_slice %arg3[%dma_wait3A_145, %mul3A_138] : memref<96x8192xf32, #tpu.memory_space<hbm>> -> memref<96x256xf32, #tpu.memory_space<hbm>>
    tpu.wait_dma2 semaphore(%arg9 : memref<!tpu.dma_semaphore, #tpu.memory_space<semaphore_mem>>) src(%arg6 : memref<96x256xf32, #tpu.memory_space<vmem>>) dst(%dma_wait3A_146 : memref<96x256xf32, #tpu.memory_space<hbm>>)
    return
  }
}

#map = affine_map<(d0, d1) -> (0, 0)>
module attributes {stable_mosaic.version = 14 : i64} {
  func.func @_sc_histogram(%arg0: i32, %arg1: i32, %arg2: memref<200x16384xi32, #tpu.memory_space<hbm>>, %arg3: memref<96x8192xf32, #tpu.memory_space<hbm>>, %arg4: memref<200x128xi32, #tpu.memory_space<vmem>>, %arg5: memref<200x128xi32, #tpu.memory_space<vmem>>, %arg6: memref<96x256xf32, #tpu.memory_space<vmem>>, %arg7: memref<!tpu.dma_semaphore, #tpu.memory_space<semaphore_mem>>, %arg8: memref<!tpu.dma_semaphore, #tpu.memory_space<semaphore_mem>>, %arg9: memref<!tpu.dma_semaphore, #tpu.memory_space<semaphore_mem>>) attributes {dimension_semantics = [#tpu.dimension_semantics<core_parallel>, #tpu.dimension_semantics<subcore_parallel>], iteration_bounds = array<i64: 2, 16>, scalar_prefetch = 0 : i64, scratch_operands = 6 : i64, tpu.core_type = #tpu.core_type<sc_vector_subcore>, window_params = [{transform_indices = #map}, {transform_indices = #map}]} {
    %mul3A = arith.constant 2 : i32
    %mul3A_0 = arith.muli %arg1, %mul3A : i32
    %add3A = arith.addi %mul3A_0, %arg0 : i32
    %mul3A_1 = arith.constant 256 : i32
    %mul3A_2 = arith.muli %add3A, %mul3A_1 : i32
    %add3A_3 = arith.constant 0 : i32
    %add3A_4 = arith.addi %add3A_3, %mul3A_2 : i32
    %iota3A = tpu.iota {dimensions = array<i32: 0>} : vector<16xi32>
    %broadcast_in_dim3A = arith.constant 0.000000e+00 : f32
    %broadcast_in_dim3A_5 = vector.broadcast %broadcast_in_dim3A : f32 to vector<16xf32>
    %broadcast_in_dim3A_6 = arith.constant 1.000000e+00 : f32
    %broadcast_in_dim3A_7 = vector.broadcast %broadcast_in_dim3A_6 : f32 to vector<16xf32>
    %dma_start3A = arith.constant 0 : i32
    %dma_start3A_8 = tpu.memref_slice %arg2[%dma_start3A, %add3A_4] : memref<200x16384xi32, #tpu.memory_space<hbm>> -> memref<200x128xi32, #tpu.memory_space<hbm>>
    %dma_start3A_9 = arith.constant 0 : i32
    %dma_start3A_10 = tpu.memref_slice %arg2[%dma_start3A_9, %add3A_4] : memref<200x16384xi32, #tpu.memory_space<hbm>> -> memref<200x128xi32, #tpu.memory_space<hbm>>
    tpu.enqueue_dma source(%dma_start3A_10 : memref<200x128xi32, #tpu.memory_space<hbm>>) target(%arg4 : memref<200x128xi32, #tpu.memory_space<vmem>>) target_semaphore(%arg7 : memref<!tpu.dma_semaphore, #tpu.memory_space<semaphore_mem>>)
    %scan3A = arith.constant 0 : i32
    %scan3A_11 = arith.constant 0 : i32
    %scan3A_12 = arith.constant 96 : i32
    %scan3A_13 = arith.addi %scan3A_11, %scan3A_12 : i32
    %scan3A_14 = arith.constant 2 : i32
    scf.for %scan3A_147 = %scan3A_11 to %scan3A_13 step %scan3A_14  : i32 {
      %swap3A = arith.index_cast %scan3A_147 : i32 to index
      %swap3A_148 = arith.constant 0 : index
      %swap3A_149 = tpu.vector_load %arg6[%swap3A, %swap3A_148] {strides = array<i32>} : memref<96x256xf32, #tpu.memory_space<vmem>>, vector<16xf32>,
      tpu.vector_store %arg6[%swap3A, %swap3A_148], %broadcast_in_dim3A_5 {strides = array<i32>} : memref<96x256xf32, #tpu.memory_space<vmem>>, vector<16xf32>,
      %swap3A_150 = arith.index_cast %scan3A_147 : i32 to index
      %swap3A_151 = arith.constant 16 : index
      %swap3A_152 = tpu.vector_load %arg6[%swap3A_150, %swap3A_151] {strides = array<i32>} : memref<96x256xf32, #tpu.memory_space<vmem>>, vector<16xf32>,
      tpu.vector_store %arg6[%swap3A_150, %swap3A_151], %broadcast_in_dim3A_5 {strides = array<i32>} : memref<96x256xf32, #tpu.memory_space<vmem>>, vector<16xf32>,
      %swap3A_153 = arith.index_cast %scan3A_147 : i32 to index
      %swap3A_154 = arith.constant 32 : index
      %swap3A_155 = tpu.vector_load %arg6[%swap3A_153, %swap3A_154] {strides = array<i32>} : memref<96x256xf32, #tpu.memory_space<vmem>>, vector<16xf32>,
      tpu.vector_store %arg6[%swap3A_153, %swap3A_154], %broadcast_in_dim3A_5 {strides = array<i32>} : memref<96x256xf32, #tpu.memory_space<vmem>>, vector<16xf32>,
      %swap3A_156 = arith.index_cast %scan3A_147 : i32 to index
      %swap3A_157 = arith.constant 48 : index
      %swap3A_158 = tpu.vector_load %arg6[%swap3A_156, %swap3A_157] {strides = array<i32>} : memref<96x256xf32, #tpu.memory_space<vmem>>, vector<16xf32>,
      tpu.vector_store %arg6[%swap3A_156, %swap3A_157], %broadcast_in_dim3A_5 {strides = array<i32>} : memref<96x256xf32, #tpu.memory_space<vmem>>, vector<16xf32>,
      %swap3A_159 = arith.index_cast %scan3A_147 : i32 to index
      %swap3A_160 = arith.constant 64 : index
      %swap3A_161 = tpu.vector_load %arg6[%swap3A_159, %swap3A_160] {strides = array<i32>} : memref<96x256xf32, #tpu.memory_space<vmem>>, vector<16xf32>,
      tpu.vector_store %arg6[%swap3A_159, %swap3A_160], %broadcast_in_dim3A_5 {strides = array<i32>} : memref<96x256xf32, #tpu.memory_space<vmem>>, vector<16xf32>,
      %swap3A_162 = arith.index_cast %scan3A_147 : i32 to index
      %swap3A_163 = arith.constant 80 : index
      %swap3A_164 = tpu.vector_load %arg6[%swap3A_162, %swap3A_163] {strides = array<i32>} : memref<96x256xf32, #tpu.memory_space<vmem>>, vector<16xf32>,
      tpu.vector_store %arg6[%swap3A_162, %swap3A_163], %broadcast_in_dim3A_5 {strides = array<i32>} : memref<96x256xf32, #tpu.memory_space<vmem>>, vector<16xf32>,
      %swap3A_165 = arith.index_cast %scan3A_147 : i32 to index
      %swap3A_166 = arith.constant 96 : index
      %swap3A_167 = tpu.vector_load %arg6[%swap3A_165, %swap3A_166] {strides = array<i32>} : memref<96x256xf32, #tpu.memory_space<vmem>>, vector<16xf32>,
      tpu.vector_store %arg6[%swap3A_165, %swap3A_166], %broadcast_in_dim3A_5 {strides = array<i32>} : memref<96x256xf32, #tpu.memory_space<vmem>>, vector<16xf32>,
      %swap3A_168 = arith.index_cast %scan3A_147 : i32 to index
      %swap3A_169 = arith.constant 112 : index
      %swap3A_170 = tpu.vector_load %arg6[%swap3A_168, %swap3A_169] {strides = array<i32>} : memref<96x256xf32, #tpu.memory_space<vmem>>, vector<16xf32>,
      tpu.vector_store %arg6[%swap3A_168, %swap3A_169], %broadcast_in_dim3A_5 {strides = array<i32>} : memref<96x256xf32, #tpu.memory_space<vmem>>, vector<16xf32>,
      %swap3A_171 = arith.index_cast %scan3A_147 : i32 to index
      %swap3A_172 = arith.constant 128 : index
      %swap3A_173 = tpu.vector_load %arg6[%swap3A_171, %swap3A_172] {strides = array<i32>} : memref<96x256xf32, #tpu.memory_space<vmem>>, vector<16xf32>,
      tpu.vector_store %arg6[%swap3A_171, %swap3A_172], %broadcast_in_dim3A_5 {strides = array<i32>} : memref<96x256xf32, #tpu.memory_space<vmem>>, vector<16xf32>,
      %swap3A_174 = arith.index_cast %scan3A_147 : i32 to index
      %swap3A_175 = arith.constant 144 : index
      %swap3A_176 = tpu.vector_load %arg6[%swap3A_174, %swap3A_175] {strides = array<i32>} : memref<96x256xf32, #tpu.memory_space<vmem>>, vector<16xf32>,
      tpu.vector_store %arg6[%swap3A_174, %swap3A_175], %broadcast_in_dim3A_5 {strides = array<i32>} : memref<96x256xf32, #tpu.memory_space<vmem>>, vector<16xf32>,
      %swap3A_177 = arith.index_cast %scan3A_147 : i32 to index
      %swap3A_178 = arith.constant 160 : index
      %swap3A_179 = tpu.vector_load %arg6[%swap3A_177, %swap3A_178] {strides = array<i32>} : memref<96x256xf32, #tpu.memory_space<vmem>>, vector<16xf32>,
      tpu.vector_store %arg6[%swap3A_177, %swap3A_178], %broadcast_in_dim3A_5 {strides = array<i32>} : memref<96x256xf32, #tpu.memory_space<vmem>>, vector<16xf32>,
      %swap3A_180 = arith.index_cast %scan3A_147 : i32 to index
      %swap3A_181 = arith.constant 176 : index
      %swap3A_182 = tpu.vector_load %arg6[%swap3A_180, %swap3A_181] {strides = array<i32>} : memref<96x256xf32, #tpu.memory_space<vmem>>, vector<16xf32>,
      tpu.vector_store %arg6[%swap3A_180, %swap3A_181], %broadcast_in_dim3A_5 {strides = array<i32>} : memref<96x256xf32, #tpu.memory_space<vmem>>, vector<16xf32>,
      %swap3A_183 = arith.index_cast %scan3A_147 : i32 to index
      %swap3A_184 = arith.constant 192 : index
      %swap3A_185 = tpu.vector_load %arg6[%swap3A_183, %swap3A_184] {strides = array<i32>} : memref<96x256xf32, #tpu.memory_space<vmem>>, vector<16xf32>,
      tpu.vector_store %arg6[%swap3A_183, %swap3A_184], %broadcast_in_dim3A_5 {strides = array<i32>} : memref<96x256xf32, #tpu.memory_space<vmem>>, vector<16xf32>,
      %swap3A_186 = arith.index_cast %scan3A_147 : i32 to index
      %swap3A_187 = arith.constant 208 : index
      %swap3A_188 = tpu.vector_load %arg6[%swap3A_186, %swap3A_187] {strides = array<i32>} : memref<96x256xf32, #tpu.memory_space<vmem>>, vector<16xf32>,
      tpu.vector_store %arg6[%swap3A_186, %swap3A_187], %broadcast_in_dim3A_5 {strides = array<i32>} : memref<96x256xf32, #tpu.memory_space<vmem>>, vector<16xf32>,
      %swap3A_189 = arith.index_cast %scan3A_147 : i32 to index
      %swap3A_190 = arith.constant 224 : index
      %swap3A_191 = tpu.vector_load %arg6[%swap3A_189, %swap3A_190] {strides = array<i32>} : memref<96x256xf32, #tpu.memory_space<vmem>>, vector<16xf32>,
      tpu.vector_store %arg6[%swap3A_189, %swap3A_190], %broadcast_in_dim3A_5 {strides = array<i32>} : memref<96x256xf32, #tpu.memory_space<vmem>>, vector<16xf32>,
      %swap3A_192 = arith.index_cast %scan3A_147 : i32 to index
      %swap3A_193 = arith.constant 240 : index
      %swap3A_194 = tpu.vector_load %arg6[%swap3A_192, %swap3A_193] {strides = array<i32>} : memref<96x256xf32, #tpu.memory_space<vmem>>, vector<16xf32>,
      tpu.vector_store %arg6[%swap3A_192, %swap3A_193], %broadcast_in_dim3A_5 {strides = array<i32>} : memref<96x256xf32, #tpu.memory_space<vmem>>, vector<16xf32>,
      %scan3A_195 = arith.constant 1 : i32
      %scan3A_196 = arith.addi %scan3A_147, %scan3A_195 : i32
      %swap3A_197 = arith.index_cast %scan3A_196 : i32 to index
      %swap3A_198 = arith.constant 0 : index
      %swap3A_199 = tpu.vector_load %arg6[%swap3A_197, %swap3A_198] {strides = array<i32>} : memref<96x256xf32, #tpu.memory_space<vmem>>, vector<16xf32>,
      tpu.vector_store %arg6[%swap3A_197, %swap3A_198], %broadcast_in_dim3A_5 {strides = array<i32>} : memref<96x256xf32, #tpu.memory_space<vmem>>, vector<16xf32>,
      %swap3A_200 = arith.index_cast %scan3A_196 : i32 to index
      %swap3A_201 = arith.constant 16 : index
      %swap3A_202 = tpu.vector_load %arg6[%swap3A_200, %swap3A_201] {strides = array<i32>} : memref<96x256xf32, #tpu.memory_space<vmem>>, vector<16xf32>,
      tpu.vector_store %arg6[%swap3A_200, %swap3A_201], %broadcast_in_dim3A_5 {strides = array<i32>} : memref<96x256xf32, #tpu.memory_space<vmem>>, vector<16xf32>,
      %swap3A_203 = arith.index_cast %scan3A_196 : i32 to index
      %swap3A_204 = arith.constant 32 : index
      %swap3A_205 = tpu.vector_load %arg6[%swap3A_203, %swap3A_204] {strides = array<i32>} : memref<96x256xf32, #tpu.memory_space<vmem>>, vector<16xf32>,
      tpu.vector_store %arg6[%swap3A_203, %swap3A_204], %broadcast_in_dim3A_5 {strides = array<i32>} : memref<96x256xf32, #tpu.memory_space<vmem>>, vector<16xf32>,
      %swap3A_206 = arith.index_cast %scan3A_196 : i32 to index
      %swap3A_207 = arith.constant 48 : index
      %swap3A_208 = tpu.vector_load %arg6[%swap3A_206, %swap3A_207] {strides = array<i32>} : memref<96x256xf32, #tpu.memory_space<vmem>>, vector<16xf32>,
      tpu.vector_store %arg6[%swap3A_206, %swap3A_207], %broadcast_in_dim3A_5 {strides = array<i32>} : memref<96x256xf32, #tpu.memory_space<vmem>>, vector<16xf32>,
      %swap3A_209 = arith.index_cast %scan3A_196 : i32 to index
      %swap3A_210 = arith.constant 64 : index
      %swap3A_211 = tpu.vector_load %arg6[%swap3A_209, %swap3A_210] {strides = array<i32>} : memref<96x256xf32, #tpu.memory_space<vmem>>, vector<16xf32>,
      tpu.vector_store %arg6[%swap3A_209, %swap3A_210], %broadcast_in_dim3A_5 {strides = array<i32>} : memref<96x256xf32, #tpu.memory_space<vmem>>, vector<16xf32>,
      %swap3A_212 = arith.index_cast %scan3A_196 : i32 to index
      %swap3A_213 = arith.constant 80 : index
      %swap3A_214 = tpu.vector_load %arg6[%swap3A_212, %swap3A_213] {strides = array<i32>} : memref<96x256xf32, #tpu.memory_space<vmem>>, vector<16xf32>,
      tpu.vector_store %arg6[%swap3A_212, %swap3A_213], %broadcast_in_dim3A_5 {strides = array<i32>} : memref<96x256xf32, #tpu.memory_space<vmem>>, vector<16xf32>,
      %swap3A_215 = arith.index_cast %scan3A_196 : i32 to index
      %swap3A_216 = arith.constant 96 : index
      %swap3A_217 = tpu.vector_load %arg6[%swap3A_215, %swap3A_216] {strides = array<i32>} : memref<96x256xf32, #tpu.memory_space<vmem>>, vector<16xf32>,
      tpu.vector_store %arg6[%swap3A_215, %swap3A_216], %broadcast_in_dim3A_5 {strides = array<i32>} : memref<96x256xf32, #tpu.memory_space<vmem>>, vector<16xf32>,
      %swap3A_218 = arith.index_cast %scan3A_196 : i32 to index
      %swap3A_219 = arith.constant 112 : index
      %swap3A_220 = tpu.vector_load %arg6[%swap3A_218, %swap3A_219] {strides = array<i32>} : memref<96x256xf32, #tpu.memory_space<vmem>>, vector<16xf32>,
      tpu.vector_store %arg6[%swap3A_218, %swap3A_219], %broadcast_in_dim3A_5 {strides = array<i32>} : memref<96x256xf32, #tpu.memory_space<vmem>>, vector<16xf32>,
      %swap3A_221 = arith.index_cast %scan3A_196 : i32 to index
      %swap3A_222 = arith.constant 128 : index
      %swap3A_223 = tpu.vector_load %arg6[%swap3A_221, %swap3A_222] {strides = array<i32>} : memref<96x256xf32, #tpu.memory_space<vmem>>, vector<16xf32>,
      tpu.vector_store %arg6[%swap3A_221, %swap3A_222], %broadcast_in_dim3A_5 {strides = array<i32>} : memref<96x256xf32, #tpu.memory_space<vmem>>, vector<16xf32>,
      %swap3A_224 = arith.index_cast %scan3A_196 : i32 to index
      %swap3A_225 = arith.constant 144 : index
      %swap3A_226 = tpu.vector_load %arg6[%swap3A_224, %swap3A_225] {strides = array<i32>} : memref<96x256xf32, #tpu.memory_space<vmem>>, vector<16xf32>,
      tpu.vector_store %arg6[%swap3A_224, %swap3A_225], %broadcast_in_dim3A_5 {strides = array<i32>} : memref<96x256xf32, #tpu.memory_space<vmem>>, vector<16xf32>,
      %swap3A_227 = arith.index_cast %scan3A_196 : i32 to index
      %swap3A_228 = arith.constant 160 : index
      %swap3A_229 = tpu.vector_load %arg6[%swap3A_227, %swap3A_228] {strides = array<i32>} : memref<96x256xf32, #tpu.memory_space<vmem>>, vector<16xf32>,
      tpu.vector_store %arg6[%swap3A_227, %swap3A_228], %broadcast_in_dim3A_5 {strides = array<i32>} : memref<96x256xf32, #tpu.memory_space<vmem>>, vector<16xf32>,
      %swap3A_230 = arith.index_cast %scan3A_196 : i32 to index
      %swap3A_231 = arith.constant 176 : index
      %swap3A_232 = tpu.vector_load %arg6[%swap3A_230, %swap3A_231] {strides = array<i32>} : memref<96x256xf32, #tpu.memory_space<vmem>>, vector<16xf32>,
      tpu.vector_store %arg6[%swap3A_230, %swap3A_231], %broadcast_in_dim3A_5 {strides = array<i32>} : memref<96x256xf32, #tpu.memory_space<vmem>>, vector<16xf32>,
      %swap3A_233 = arith.index_cast %scan3A_196 : i32 to index
      %swap3A_234 = arith.constant 192 : index
      %swap3A_235 = tpu.vector_load %arg6[%swap3A_233, %swap3A_234] {strides = array<i32>} : memref<96x256xf32, #tpu.memory_space<vmem>>, vector<16xf32>,
      tpu.vector_store %arg6[%swap3A_233, %swap3A_234], %broadcast_in_dim3A_5 {strides = array<i32>} : memref<96x256xf32, #tpu.memory_space<vmem>>, vector<16xf32>,
      %swap3A_236 = arith.index_cast %scan3A_196 : i32 to index
      %swap3A_237 = arith.constant 208 : index
      %swap3A_238 = tpu.vector_load %arg6[%swap3A_236, %swap3A_237] {strides = array<i32>} : memref<96x256xf32, #tpu.memory_space<vmem>>, vector<16xf32>,
      tpu.vector_store %arg6[%swap3A_236, %swap3A_237], %broadcast_in_dim3A_5 {strides = array<i32>} : memref<96x256xf32, #tpu.memory_space<vmem>>, vector<16xf32>,
      %swap3A_239 = arith.index_cast %scan3A_196 : i32 to index
      %swap3A_240 = arith.constant 224 : index
      %swap3A_241 = tpu.vector_load %arg6[%swap3A_239, %swap3A_240] {strides = array<i32>} : memref<96x256xf32, #tpu.memory_space<vmem>>, vector<16xf32>,
      tpu.vector_store %arg6[%swap3A_239, %swap3A_240], %broadcast_in_dim3A_5 {strides = array<i32>} : memref<96x256xf32, #tpu.memory_space<vmem>>, vector<16xf32>,
      %swap3A_242 = arith.index_cast %scan3A_196 : i32 to index
      %swap3A_243 = arith.constant 240 : index
      %swap3A_244 = tpu.vector_load %arg6[%swap3A_242, %swap3A_243] {strides = array<i32>} : memref<96x256xf32, #tpu.memory_space<vmem>>, vector<16xf32>,
      tpu.vector_store %arg6[%swap3A_242, %swap3A_243], %broadcast_in_dim3A_5 {strides = array<i32>} : memref<96x256xf32, #tpu.memory_space<vmem>>, vector<16xf32>,
    }
    %scan3A_15 = arith.constant 96 : i32
    %add3A_16 = arith.constant 128 : i32
    %add3A_17 = arith.addi %add3A_4, %add3A_16 : i32
    %dma_start3A_18 = arith.constant 0 : i32
    %dma_start3A_19 = tpu.memref_slice %arg2[%dma_start3A_18, %add3A_17] : memref<200x16384xi32, #tpu.memory_space<hbm>> -> memref<200x128xi32, #tpu.memory_space<hbm>>
    %dma_start3A_20 = arith.constant 0 : i32
    %dma_start3A_21 = tpu.memref_slice %arg2[%dma_start3A_20, %add3A_17] : memref<200x16384xi32, #tpu.memory_space<hbm>> -> memref<200x128xi32, #tpu.memory_space<hbm>>
    tpu.enqueue_dma source(%dma_start3A_21 : memref<200x128xi32, #tpu.memory_space<hbm>>) target(%arg5 : memref<200x128xi32, #tpu.memory_space<vmem>>) target_semaphore(%arg8 : memref<!tpu.dma_semaphore, #tpu.memory_space<semaphore_mem>>)
    %dma_wait3A = arith.constant 0 : i32
    %dma_wait3A_22 = tpu.memref_slice %arg2[%dma_wait3A, %add3A_4] : memref<200x16384xi32, #tpu.memory_space<hbm>> -> memref<200x128xi32, #tpu.memory_space<hbm>>
    %dma_wait3A_23 = arith.constant 0 : i32
    %dma_wait3A_24 = tpu.memref_slice %arg2[%dma_wait3A_23, %add3A_4] : memref<200x16384xi32, #tpu.memory_space<hbm>> -> memref<200x128xi32, #tpu.memory_space<hbm>>
    tpu.wait_dma2 semaphore(%arg7 : memref<!tpu.dma_semaphore, #tpu.memory_space<semaphore_mem>>) src(%dma_wait3A_24 : memref<200x128xi32, #tpu.memory_space<hbm>>) dst(%arg4 : memref<200x128xi32, #tpu.memory_space<vmem>>)
    %add3A_25 = arith.constant 0 : i32
    %add3A_26 = vector.broadcast %add3A_25 : i32 to vector<16xi32>
    %add3A_27 = arith.addi %add3A_26, %iota3A : vector<16xi32>
    %add3A_28 = arith.constant 16 : i32
    %add3A_29 = vector.broadcast %add3A_28 : i32 to vector<16xi32>
    %add3A_30 = arith.addi %add3A_29, %iota3A : vector<16xi32>
    %add3A_31 = arith.constant 32 : i32
    %add3A_32 = vector.broadcast %add3A_31 : i32 to vector<16xi32>
    %add3A_33 = arith.addi %add3A_32, %iota3A : vector<16xi32>
    %add3A_34 = arith.constant 48 : i32
    %add3A_35 = vector.broadcast %add3A_34 : i32 to vector<16xi32>
    %add3A_36 = arith.addi %add3A_35, %iota3A : vector<16xi32>
    %add3A_37 = arith.constant 64 : i32
    %add3A_38 = vector.broadcast %add3A_37 : i32 to vector<16xi32>
    %add3A_39 = arith.addi %add3A_38, %iota3A : vector<16xi32>
    %add3A_40 = arith.constant 80 : i32
    %add3A_41 = vector.broadcast %add3A_40 : i32 to vector<16xi32>
    %add3A_42 = arith.addi %add3A_41, %iota3A : vector<16xi32>
    %add3A_43 = arith.constant 96 : i32
    %add3A_44 = vector.broadcast %add3A_43 : i32 to vector<16xi32>
    %add3A_45 = arith.addi %add3A_44, %iota3A : vector<16xi32>
    %add3A_46 = arith.constant 112 : i32
    %add3A_47 = vector.broadcast %add3A_46 : i32 to vector<16xi32>
    %add3A_48 = arith.addi %add3A_47, %iota3A : vector<16xi32>
    %add3A_49 = arith.constant 0 : i32
    %add3A_50 = vector.broadcast %add3A_49 : i32 to vector<16xi32>
    %add3A_51 = arith.addi %add3A_50, %iota3A : vector<16xi32>
    %add3A_52 = arith.constant 16 : i32
    %add3A_53 = vector.broadcast %add3A_52 : i32 to vector<16xi32>
    %add3A_54 = arith.addi %add3A_53, %iota3A : vector<16xi32>
    %add3A_55 = arith.constant 32 : i32
    %add3A_56 = vector.broadcast %add3A_55 : i32 to vector<16xi32>
    %add3A_57 = arith.addi %add3A_56, %iota3A : vector<16xi32>
    %add3A_58 = arith.constant 48 : i32
    %add3A_59 = vector.broadcast %add3A_58 : i32 to vector<16xi32>
    %add3A_60 = arith.addi %add3A_59, %iota3A : vector<16xi32>
    %add3A_61 = arith.constant 64 : i32
    %add3A_62 = vector.broadcast %add3A_61 : i32 to vector<16xi32>
    %add3A_63 = arith.addi %add3A_62, %iota3A : vector<16xi32>
    %add3A_64 = arith.constant 80 : i32
    %add3A_65 = vector.broadcast %add3A_64 : i32 to vector<16xi32>
    %add3A_66 = arith.addi %add3A_65, %iota3A : vector<16xi32>
    %add3A_67 = arith.constant 96 : i32
    %add3A_68 = vector.broadcast %add3A_67 : i32 to vector<16xi32>
    %add3A_69 = arith.addi %add3A_68, %iota3A : vector<16xi32>
    %add3A_70 = arith.constant 112 : i32
    %add3A_71 = vector.broadcast %add3A_70 : i32 to vector<16xi32>
    %add3A_72 = arith.addi %add3A_71, %iota3A : vector<16xi32>
    %scan3A_73 = arith.constant 0 : i32
    %scan3A_74 = arith.constant 0 : i32
    %scan3A_75 = arith.constant 200 : i32
    %scan3A_76 = arith.addi %scan3A_74, %scan3A_75 : i32
    %scan3A_77 = arith.constant 2 : i32
    scf.for %scan3A_147 = %scan3A_74 to %scan3A_76 step %scan3A_77  : i32 {
      %broadcast_in_dim3A_148 = arith.constant 0 : i32
      %broadcast_in_dim3A_149 = vector.broadcast %broadcast_in_dim3A_148 : i32 to vector<16xi32>
      %add3A_150 = vector.broadcast %scan3A_147 : i32 to vector<16xi32>
      %add3A_151 = arith.addi %broadcast_in_dim3A_149, %add3A_150 : vector<16xi32>
      %gather3A = tpu.vector_load_idx %arg4[%add3A_151, %add3A_51] : memref<200x128xi32, #tpu.memory_space<vmem>>[vector<16xi32>, vector<16xi32>], vector<16xi32>,
      %gather3A_152 = tpu.vector_load_idx %arg4[%add3A_151, %add3A_54] : memref<200x128xi32, #tpu.memory_space<vmem>>[vector<16xi32>, vector<16xi32>], vector<16xi32>,
      %gather3A_153 = tpu.vector_load_idx %arg4[%add3A_151, %add3A_57] : memref<200x128xi32, #tpu.memory_space<vmem>>[vector<16xi32>, vector<16xi32>], vector<16xi32>,
      %gather3A_154 = tpu.vector_load_idx %arg4[%add3A_151, %add3A_60] : memref<200x128xi32, #tpu.memory_space<vmem>>[vector<16xi32>, vector<16xi32>], vector<16xi32>,
      %gather3A_155 = tpu.vector_load_idx %arg4[%add3A_151, %add3A_63] : memref<200x128xi32, #tpu.memory_space<vmem>>[vector<16xi32>, vector<16xi32>], vector<16xi32>,
      %gather3A_156 = tpu.vector_load_idx %arg4[%add3A_151, %add3A_66] : memref<200x128xi32, #tpu.memory_space<vmem>>[vector<16xi32>, vector<16xi32>], vector<16xi32>,
      %gather3A_157 = tpu.vector_load_idx %arg4[%add3A_151, %add3A_69] : memref<200x128xi32, #tpu.memory_space<vmem>>[vector<16xi32>, vector<16xi32>], vector<16xi32>,
      %gather3A_158 = tpu.vector_load_idx %arg4[%add3A_151, %add3A_72] : memref<200x128xi32, #tpu.memory_space<vmem>>[vector<16xi32>, vector<16xi32>], vector<16xi32>,
      tpu.vector_store_idx %arg6[%gather3A, %add3A_27], %broadcast_in_dim3A_7 {add = true} : memref<96x256xf32, #tpu.memory_space<vmem>>[vector<16xi32>, vector<16xi32>], vector<16xf32>,
      tpu.vector_store_idx %arg6[%gather3A_152, %add3A_30], %broadcast_in_dim3A_7 {add = true} : memref<96x256xf32, #tpu.memory_space<vmem>>[vector<16xi32>, vector<16xi32>], vector<16xf32>,
      tpu.vector_store_idx %arg6[%gather3A_153, %add3A_33], %broadcast_in_dim3A_7 {add = true} : memref<96x256xf32, #tpu.memory_space<vmem>>[vector<16xi32>, vector<16xi32>], vector<16xf32>,
      tpu.vector_store_idx %arg6[%gather3A_154, %add3A_36], %broadcast_in_dim3A_7 {add = true} : memref<96x256xf32, #tpu.memory_space<vmem>>[vector<16xi32>, vector<16xi32>], vector<16xf32>,
      tpu.vector_store_idx %arg6[%gather3A_155, %add3A_39], %broadcast_in_dim3A_7 {add = true} : memref<96x256xf32, #tpu.memory_space<vmem>>[vector<16xi32>, vector<16xi32>], vector<16xf32>,
      tpu.vector_store_idx %arg6[%gather3A_156, %add3A_42], %broadcast_in_dim3A_7 {add = true} : memref<96x256xf32, #tpu.memory_space<vmem>>[vector<16xi32>, vector<16xi32>], vector<16xf32>,
      tpu.vector_store_idx %arg6[%gather3A_157, %add3A_45], %broadcast_in_dim3A_7 {add = true} : memref<96x256xf32, #tpu.memory_space<vmem>>[vector<16xi32>, vector<16xi32>], vector<16xf32>,
      tpu.vector_store_idx %arg6[%gather3A_158, %add3A_48], %broadcast_in_dim3A_7 {add = true} : memref<96x256xf32, #tpu.memory_space<vmem>>[vector<16xi32>, vector<16xi32>], vector<16xf32>,
      %scan3A_159 = arith.constant 1 : i32
      %scan3A_160 = arith.addi %scan3A_147, %scan3A_159 : i32
      %broadcast_in_dim3A_161 = arith.constant 0 : i32
      %broadcast_in_dim3A_162 = vector.broadcast %broadcast_in_dim3A_161 : i32 to vector<16xi32>
      %add3A_163 = vector.broadcast %scan3A_160 : i32 to vector<16xi32>
      %add3A_164 = arith.addi %broadcast_in_dim3A_162, %add3A_163 : vector<16xi32>
      %gather3A_165 = tpu.vector_load_idx %arg4[%add3A_164, %add3A_51] : memref<200x128xi32, #tpu.memory_space<vmem>>[vector<16xi32>, vector<16xi32>], vector<16xi32>,
      %gather3A_166 = tpu.vector_load_idx %arg4[%add3A_164, %add3A_54] : memref<200x128xi32, #tpu.memory_space<vmem>>[vector<16xi32>, vector<16xi32>], vector<16xi32>,
      %gather3A_167 = tpu.vector_load_idx %arg4[%add3A_164, %add3A_57] : memref<200x128xi32, #tpu.memory_space<vmem>>[vector<16xi32>, vector<16xi32>], vector<16xi32>,
      %gather3A_168 = tpu.vector_load_idx %arg4[%add3A_164, %add3A_60] : memref<200x128xi32, #tpu.memory_space<vmem>>[vector<16xi32>, vector<16xi32>], vector<16xi32>,
      %gather3A_169 = tpu.vector_load_idx %arg4[%add3A_164, %add3A_63] : memref<200x128xi32, #tpu.memory_space<vmem>>[vector<16xi32>, vector<16xi32>], vector<16xi32>,
      %gather3A_170 = tpu.vector_load_idx %arg4[%add3A_164, %add3A_66] : memref<200x128xi32, #tpu.memory_space<vmem>>[vector<16xi32>, vector<16xi32>], vector<16xi32>,
      %gather3A_171 = tpu.vector_load_idx %arg4[%add3A_164, %add3A_69] : memref<200x128xi32, #tpu.memory_space<vmem>>[vector<16xi32>, vector<16xi32>], vector<16xi32>,
      %gather3A_172 = tpu.vector_load_idx %arg4[%add3A_164, %add3A_72] : memref<200x128xi32, #tpu.memory_space<vmem>>[vector<16xi32>, vector<16xi32>], vector<16xi32>,
      tpu.vector_store_idx %arg6[%gather3A_165, %add3A_27], %broadcast_in_dim3A_7 {add = true} : memref<96x256xf32, #tpu.memory_space<vmem>>[vector<16xi32>, vector<16xi32>], vector<16xf32>,
      tpu.vector_store_idx %arg6[%gather3A_166, %add3A_30], %broadcast_in_dim3A_7 {add = true} : memref<96x256xf32, #tpu.memory_space<vmem>>[vector<16xi32>, vector<16xi32>], vector<16xf32>,
      tpu.vector_store_idx %arg6[%gather3A_167, %add3A_33], %broadcast_in_dim3A_7 {add = true} : memref<96x256xf32, #tpu.memory_space<vmem>>[vector<16xi32>, vector<16xi32>], vector<16xf32>,
      tpu.vector_store_idx %arg6[%gather3A_168, %add3A_36], %broadcast_in_dim3A_7 {add = true} : memref<96x256xf32, #tpu.memory_space<vmem>>[vector<16xi32>, vector<16xi32>], vector<16xf32>,
      tpu.vector_store_idx %arg6[%gather3A_169, %add3A_39], %broadcast_in_dim3A_7 {add = true} : memref<96x256xf32, #tpu.memory_space<vmem>>[vector<16xi32>, vector<16xi32>], vector<16xf32>,
      tpu.vector_store_idx %arg6[%gather3A_170, %add3A_42], %broadcast_in_dim3A_7 {add = true} : memref<96x256xf32, #tpu.memory_space<vmem>>[vector<16xi32>, vector<16xi32>], vector<16xf32>,
      tpu.vector_store_idx %arg6[%gather3A_171, %add3A_45], %broadcast_in_dim3A_7 {add = true} : memref<96x256xf32, #tpu.memory_space<vmem>>[vector<16xi32>, vector<16xi32>], vector<16xf32>,
      tpu.vector_store_idx %arg6[%gather3A_172, %add3A_48], %broadcast_in_dim3A_7 {add = true} : memref<96x256xf32, #tpu.memory_space<vmem>>[vector<16xi32>, vector<16xi32>], vector<16xf32>,
    }
    %scan3A_78 = arith.constant 200 : i32
    %dma_wait3A_79 = arith.constant 0 : i32
    %dma_wait3A_80 = tpu.memref_slice %arg2[%dma_wait3A_79, %add3A_17] : memref<200x16384xi32, #tpu.memory_space<hbm>> -> memref<200x128xi32, #tpu.memory_space<hbm>>
    %dma_wait3A_81 = arith.constant 0 : i32
    %dma_wait3A_82 = tpu.memref_slice %arg2[%dma_wait3A_81, %add3A_17] : memref<200x16384xi32, #tpu.memory_space<hbm>> -> memref<200x128xi32, #tpu.memory_space<hbm>>
    tpu.wait_dma2 semaphore(%arg8 : memref<!tpu.dma_semaphore, #tpu.memory_space<semaphore_mem>>) src(%dma_wait3A_82 : memref<200x128xi32, #tpu.memory_space<hbm>>) dst(%arg5 : memref<200x128xi32, #tpu.memory_space<vmem>>)
    %add3A_83 = arith.constant 128 : i32
    %add3A_84 = vector.broadcast %add3A_83 : i32 to vector<16xi32>
    %add3A_85 = arith.addi %add3A_84, %iota3A : vector<16xi32>
    %add3A_86 = arith.constant 144 : i32
    %add3A_87 = vector.broadcast %add3A_86 : i32 to vector<16xi32>
    %add3A_88 = arith.addi %add3A_87, %iota3A : vector<16xi32>
    %add3A_89 = arith.constant 160 : i32
    %add3A_90 = vector.broadcast %add3A_89 : i32 to vector<16xi32>
    %add3A_91 = arith.addi %add3A_90, %iota3A : vector<16xi32>
    %add3A_92 = arith.constant 176 : i32
    %add3A_93 = vector.broadcast %add3A_92 : i32 to vector<16xi32>
    %add3A_94 = arith.addi %add3A_93, %iota3A : vector<16xi32>
    %add3A_95 = arith.constant 192 : i32
    %add3A_96 = vector.broadcast %add3A_95 : i32 to vector<16xi32>
    %add3A_97 = arith.addi %add3A_96, %iota3A : vector<16xi32>
    %add3A_98 = arith.constant 208 : i32
    %add3A_99 = vector.broadcast %add3A_98 : i32 to vector<16xi32>
    %add3A_100 = arith.addi %add3A_99, %iota3A : vector<16xi32>
    %add3A_101 = arith.constant 224 : i32
    %add3A_102 = vector.broadcast %add3A_101 : i32 to vector<16xi32>
    %add3A_103 = arith.addi %add3A_102, %iota3A : vector<16xi32>
    %add3A_104 = arith.constant 240 : i32
    %add3A_105 = vector.broadcast %add3A_104 : i32 to vector<16xi32>
    %add3A_106 = arith.addi %add3A_105, %iota3A : vector<16xi32>
    %add3A_107 = arith.constant 0 : i32
    %add3A_108 = vector.broadcast %add3A_107 : i32 to vector<16xi32>
    %add3A_109 = arith.addi %add3A_108, %iota3A : vector<16xi32>
    %add3A_110 = arith.constant 16 : i32
    %add3A_111 = vector.broadcast %add3A_110 : i32 to vector<16xi32>
    %add3A_112 = arith.addi %add3A_111, %iota3A : vector<16xi32>
    %add3A_113 = arith.constant 32 : i32
    %add3A_114 = vector.broadcast %add3A_113 : i32 to vector<16xi32>
    %add3A_115 = arith.addi %add3A_114, %iota3A : vector<16xi32>
    %add3A_116 = arith.constant 48 : i32
    %add3A_117 = vector.broadcast %add3A_116 : i32 to vector<16xi32>
    %add3A_118 = arith.addi %add3A_117, %iota3A : vector<16xi32>
    %add3A_119 = arith.constant 64 : i32
    %add3A_120 = vector.broadcast %add3A_119 : i32 to vector<16xi32>
    %add3A_121 = arith.addi %add3A_120, %iota3A : vector<16xi32>
    %add3A_122 = arith.constant 80 : i32
    %add3A_123 = vector.broadcast %add3A_122 : i32 to vector<16xi32>
    %add3A_124 = arith.addi %add3A_123, %iota3A : vector<16xi32>
    %add3A_125 = arith.constant 96 : i32
    %add3A_126 = vector.broadcast %add3A_125 : i32 to vector<16xi32>
    %add3A_127 = arith.addi %add3A_126, %iota3A : vector<16xi32>
    %add3A_128 = arith.constant 112 : i32
    %add3A_129 = vector.broadcast %add3A_128 : i32 to vector<16xi32>
    %add3A_130 = arith.addi %add3A_129, %iota3A : vector<16xi32>
    %scan3A_131 = arith.constant 0 : i32
    %scan3A_132 = arith.constant 0 : i32
    %scan3A_133 = arith.constant 200 : i32
    %scan3A_134 = arith.addi %scan3A_132, %scan3A_133 : i32
    %scan3A_135 = arith.constant 2 : i32
    scf.for %scan3A_147 = %scan3A_132 to %scan3A_134 step %scan3A_135  : i32 {
      %broadcast_in_dim3A_148 = arith.constant 0 : i32
      %broadcast_in_dim3A_149 = vector.broadcast %broadcast_in_dim3A_148 : i32 to vector<16xi32>
      %add3A_150 = vector.broadcast %scan3A_147 : i32 to vector<16xi32>
      %add3A_151 = arith.addi %broadcast_in_dim3A_149, %add3A_150 : vector<16xi32>
      %gather3A = tpu.vector_load_idx %arg5[%add3A_151, %add3A_109] : memref<200x128xi32, #tpu.memory_space<vmem>>[vector<16xi32>, vector<16xi32>], vector<16xi32>,
      %gather3A_152 = tpu.vector_load_idx %arg5[%add3A_151, %add3A_112] : memref<200x128xi32, #tpu.memory_space<vmem>>[vector<16xi32>, vector<16xi32>], vector<16xi32>,
      %gather3A_153 = tpu.vector_load_idx %arg5[%add3A_151, %add3A_115] : memref<200x128xi32, #tpu.memory_space<vmem>>[vector<16xi32>, vector<16xi32>], vector<16xi32>,
      %gather3A_154 = tpu.vector_load_idx %arg5[%add3A_151, %add3A_118] : memref<200x128xi32, #tpu.memory_space<vmem>>[vector<16xi32>, vector<16xi32>], vector<16xi32>,
      %gather3A_155 = tpu.vector_load_idx %arg5[%add3A_151, %add3A_121] : memref<200x128xi32, #tpu.memory_space<vmem>>[vector<16xi32>, vector<16xi32>], vector<16xi32>,
      %gather3A_156 = tpu.vector_load_idx %arg5[%add3A_151, %add3A_124] : memref<200x128xi32, #tpu.memory_space<vmem>>[vector<16xi32>, vector<16xi32>], vector<16xi32>,
      %gather3A_157 = tpu.vector_load_idx %arg5[%add3A_151, %add3A_127] : memref<200x128xi32, #tpu.memory_space<vmem>>[vector<16xi32>, vector<16xi32>], vector<16xi32>,
      %gather3A_158 = tpu.vector_load_idx %arg5[%add3A_151, %add3A_130] : memref<200x128xi32, #tpu.memory_space<vmem>>[vector<16xi32>, vector<16xi32>], vector<16xi32>,
      tpu.vector_store_idx %arg6[%gather3A, %add3A_85], %broadcast_in_dim3A_7 {add = true} : memref<96x256xf32, #tpu.memory_space<vmem>>[vector<16xi32>, vector<16xi32>], vector<16xf32>,
      tpu.vector_store_idx %arg6[%gather3A_152, %add3A_88], %broadcast_in_dim3A_7 {add = true} : memref<96x256xf32, #tpu.memory_space<vmem>>[vector<16xi32>, vector<16xi32>], vector<16xf32>,
      tpu.vector_store_idx %arg6[%gather3A_153, %add3A_91], %broadcast_in_dim3A_7 {add = true} : memref<96x256xf32, #tpu.memory_space<vmem>>[vector<16xi32>, vector<16xi32>], vector<16xf32>,
      tpu.vector_store_idx %arg6[%gather3A_154, %add3A_94], %broadcast_in_dim3A_7 {add = true} : memref<96x256xf32, #tpu.memory_space<vmem>>[vector<16xi32>, vector<16xi32>], vector<16xf32>,
      tpu.vector_store_idx %arg6[%gather3A_155, %add3A_97], %broadcast_in_dim3A_7 {add = true} : memref<96x256xf32, #tpu.memory_space<vmem>>[vector<16xi32>, vector<16xi32>], vector<16xf32>,
      tpu.vector_store_idx %arg6[%gather3A_156, %add3A_100], %broadcast_in_dim3A_7 {add = true} : memref<96x256xf32, #tpu.memory_space<vmem>>[vector<16xi32>, vector<16xi32>], vector<16xf32>,
      tpu.vector_store_idx %arg6[%gather3A_157, %add3A_103], %broadcast_in_dim3A_7 {add = true} : memref<96x256xf32, #tpu.memory_space<vmem>>[vector<16xi32>, vector<16xi32>], vector<16xf32>,
      tpu.vector_store_idx %arg6[%gather3A_158, %add3A_106], %broadcast_in_dim3A_7 {add = true} : memref<96x256xf32, #tpu.memory_space<vmem>>[vector<16xi32>, vector<16xi32>], vector<16xf32>,
      %scan3A_159 = arith.constant 1 : i32
      %scan3A_160 = arith.addi %scan3A_147, %scan3A_159 : i32
      %broadcast_in_dim3A_161 = arith.constant 0 : i32
      %broadcast_in_dim3A_162 = vector.broadcast %broadcast_in_dim3A_161 : i32 to vector<16xi32>
      %add3A_163 = vector.broadcast %scan3A_160 : i32 to vector<16xi32>
      %add3A_164 = arith.addi %broadcast_in_dim3A_162, %add3A_163 : vector<16xi32>
      %gather3A_165 = tpu.vector_load_idx %arg5[%add3A_164, %add3A_109] : memref<200x128xi32, #tpu.memory_space<vmem>>[vector<16xi32>, vector<16xi32>], vector<16xi32>,
      %gather3A_166 = tpu.vector_load_idx %arg5[%add3A_164, %add3A_112] : memref<200x128xi32, #tpu.memory_space<vmem>>[vector<16xi32>, vector<16xi32>], vector<16xi32>,
      %gather3A_167 = tpu.vector_load_idx %arg5[%add3A_164, %add3A_115] : memref<200x128xi32, #tpu.memory_space<vmem>>[vector<16xi32>, vector<16xi32>], vector<16xi32>,
      %gather3A_168 = tpu.vector_load_idx %arg5[%add3A_164, %add3A_118] : memref<200x128xi32, #tpu.memory_space<vmem>>[vector<16xi32>, vector<16xi32>], vector<16xi32>,
      %gather3A_169 = tpu.vector_load_idx %arg5[%add3A_164, %add3A_121] : memref<200x128xi32, #tpu.memory_space<vmem>>[vector<16xi32>, vector<16xi32>], vector<16xi32>,
      %gather3A_170 = tpu.vector_load_idx %arg5[%add3A_164, %add3A_124] : memref<200x128xi32, #tpu.memory_space<vmem>>[vector<16xi32>, vector<16xi32>], vector<16xi32>,
      %gather3A_171 = tpu.vector_load_idx %arg5[%add3A_164, %add3A_127] : memref<200x128xi32, #tpu.memory_space<vmem>>[vector<16xi32>, vector<16xi32>], vector<16xi32>,
      %gather3A_172 = tpu.vector_load_idx %arg5[%add3A_164, %add3A_130] : memref<200x128xi32, #tpu.memory_space<vmem>>[vector<16xi32>, vector<16xi32>], vector<16xi32>,
      tpu.vector_store_idx %arg6[%gather3A_165, %add3A_85], %broadcast_in_dim3A_7 {add = true} : memref<96x256xf32, #tpu.memory_space<vmem>>[vector<16xi32>, vector<16xi32>], vector<16xf32>,
      tpu.vector_store_idx %arg6[%gather3A_166, %add3A_88], %broadcast_in_dim3A_7 {add = true} : memref<96x256xf32, #tpu.memory_space<vmem>>[vector<16xi32>, vector<16xi32>], vector<16xf32>,
      tpu.vector_store_idx %arg6[%gather3A_167, %add3A_91], %broadcast_in_dim3A_7 {add = true} : memref<96x256xf32, #tpu.memory_space<vmem>>[vector<16xi32>, vector<16xi32>], vector<16xf32>,
      tpu.vector_store_idx %arg6[%gather3A_168, %add3A_94], %broadcast_in_dim3A_7 {add = true} : memref<96x256xf32, #tpu.memory_space<vmem>>[vector<16xi32>, vector<16xi32>], vector<16xf32>,
      tpu.vector_store_idx %arg6[%gather3A_169, %add3A_97], %broadcast_in_dim3A_7 {add = true} : memref<96x256xf32, #tpu.memory_space<vmem>>[vector<16xi32>, vector<16xi32>], vector<16xf32>,
      tpu.vector_store_idx %arg6[%gather3A_170, %add3A_100], %broadcast_in_dim3A_7 {add = true} : memref<96x256xf32, #tpu.memory_space<vmem>>[vector<16xi32>, vector<16xi32>], vector<16xf32>,
      tpu.vector_store_idx %arg6[%gather3A_171, %add3A_103], %broadcast_in_dim3A_7 {add = true} : memref<96x256xf32, #tpu.memory_space<vmem>>[vector<16xi32>, vector<16xi32>], vector<16xf32>,
      tpu.vector_store_idx %arg6[%gather3A_172, %add3A_106], %broadcast_in_dim3A_7 {add = true} : memref<96x256xf32, #tpu.memory_space<vmem>>[vector<16xi32>, vector<16xi32>], vector<16xf32>,
    }
    %scan3A_136 = arith.constant 200 : i32
    %mul3A_137 = arith.constant 256 : i32
    %mul3A_138 = arith.muli %add3A, %mul3A_137 : i32
    %dma_start3A_139 = arith.constant 0 : i32
    %dma_start3A_140 = tpu.memref_slice %arg3[%dma_start3A_139, %mul3A_138] : memref<96x8192xf32, #tpu.memory_space<hbm>> -> memref<96x256xf32, #tpu.memory_space<hbm>>
    %dma_start3A_141 = arith.constant 0 : i32
    %dma_start3A_142 = tpu.memref_slice %arg3[%dma_start3A_141, %mul3A_138] : memref<96x8192xf32, #tpu.memory_space<hbm>> -> memref<96x256xf32, #tpu.memory_space<hbm>>
    tpu.enqueue_dma source(%arg6 : memref<96x256xf32, #tpu.memory_space<vmem>>) target(%dma_start3A_142 : memref<96x256xf32, #tpu.memory_space<hbm>>) target_semaphore(%arg9 : memref<!tpu.dma_semaphore, #tpu.memory_space<semaphore_mem>>)
    %dma_wait3A_143 = arith.constant 0 : i32
    %dma_wait3A_144 = tpu.memref_slice %arg3[%dma_wait3A_143, %mul3A_138] : memref<96x8192xf32, #tpu.memory_space<hbm>> -> memref<96x256xf32, #tpu.memory_space<hbm>>
    %dma_wait3A_145 = arith.constant 0 : i32
    %dma_wait3A_146 = tpu.memref_slice %arg3[%dma_wait3A_145, %mul3A_138] : memref<96x8192xf32, #tpu.memory_space<hbm>> -> memref<96x256xf32, #tpu.memory_space<hbm>>
    tpu.wait_dma2 semaphore(%arg9 : memref<!tpu.dma_semaphore, #tpu.memory_space<semaphore_mem>>) src(%arg6 : memref<96x256xf32, #tpu.memory_space<vmem>>) dst(%dma_wait3A_146 : memref<96x256xf32, #tpu.memory_space<hbm>>)
    return
  }
}

module attributes {stable_mosaic.version = 14 : i64} {
  func.func @_tc_mlp_t(%arg0: i32, %arg1: memref<96x2048xf32, #tpu.memory_space<vmem>>, %arg2: memref<32x96xf32, #tpu.memory_space<vmem>>, %arg3: memref<64x32xf32, #tpu.memory_space<vmem>>, %arg4: memref<64x1xf32, #tpu.memory_space<vmem>>, %arg5: memref<64x64xf32, #tpu.memory_space<vmem>>, %arg6: memref<64x1xf32, #tpu.memory_space<vmem>>, %arg7: memref<32x64xf32, #tpu.memory_space<vmem>>, %arg8: memref<32x1xf32, #tpu.memory_space<vmem>>, %arg9: memref<32x2048xf32, #tpu.memory_space<vmem>>, %arg10: memref<32x2048xf32, #tpu.memory_space<vmem>>) attributes {dimension_semantics = [#tpu.dimension_semantics<arbitrary>], iteration_bounds = array<i64: 4>, scalar_prefetch = 0 : i64, scratch_operands = 0 : i64, tpu.core_type = #tpu.core_type<tc>, window_params = [{transform_indices = @transform_0, window_bounds = array<i64: 96, 2048>}, {pipeline_mode = #tpu.pipeline_mode<synchronous>, transform_indices = @transform_1, window_bounds = array<i64: 32, 96>}, {pipeline_mode = #tpu.pipeline_mode<synchronous>, transform_indices = @transform_2, window_bounds = array<i64: 64, 32>}, {pipeline_mode = #tpu.pipeline_mode<synchronous>, transform_indices = @transform_3, window_bounds = array<i64: 64, 1>}, {pipeline_mode = #tpu.pipeline_mode<synchronous>, transform_indices = @transform_4, window_bounds = array<i64: 64, 64>}, {pipeline_mode = #tpu.pipeline_mode<synchronous>, transform_indices = @transform_5, window_bounds = array<i64: 64, 1>}, {pipeline_mode = #tpu.pipeline_mode<synchronous>, transform_indices = @transform_6, window_bounds = array<i64: 32, 64>}, {pipeline_mode = #tpu.pipeline_mode<synchronous>, transform_indices = @transform_7, window_bounds = array<i64: 32, 1>}, {transform_indices = @transform_8, window_bounds = array<i64: 32, 2048>}, {transform_indices = @transform_9, window_bounds = array<i64: 32, 2048>}]} {
    %get3A = arith.constant 0 : index
    %get3A_0 = arith.constant 0 : index
    %get3A_1 = vector.load %arg1[%get3A, %get3A_0] : memref<96x2048xf32, #tpu.memory_space<vmem>>, vector<96x2048xf32>
    %get3A_2 = arith.constant 0 : index
    %get3A_3 = arith.constant 0 : index
    %get3A_4 = vector.load %arg3[%get3A_2, %get3A_3] : memref<64x32xf32, #tpu.memory_space<vmem>>, vector<64x32xf32>
    %get3A_5 = arith.constant 0 : index
    %get3A_6 = arith.constant 0 : index
    %get3A_7 = vector.load %arg2[%get3A_5, %get3A_6] : memref<32x96xf32, #tpu.memory_space<vmem>>, vector<32x96xf32>
    %dot_general3A = arith.constant dense<0.000000e+00> : vector<64x96xf32>
    %dot_general3A_8 = tpu.matmul %get3A_4, %get3A_7, %dot_general3A {dimension_numbers = #tpu.dot_dimension_numbers<[1], [0], [0], [1], [0, 0, 1, 1], [], []>, transpose_lhs_hint = false} : vector<64x32xf32>, vector<32x96xf32>, vector<64x96xf32> -> vector<64x96xf32>
    %dot_general3A_9 = arith.constant dense<0.000000e+00> : vector<64x2048xf32>
    %dot_general3A_10 = tpu.matmul %dot_general3A_8, %get3A_1, %dot_general3A_9 {dimension_numbers = #tpu.dot_dimension_numbers<[1], [0], [0], [1], [0, 0, 1, 1], [], []>, transpose_lhs_hint = false} : vector<64x96xf32>, vector<96x2048xf32>, vector<64x2048xf32> -> vector<64x2048xf32>
    %slice3A = vector.extract_strided_slice %get3A_1 {offsets = [0, 0], sizes = [1, 2048], strides = [1, 1]} : vector<96x2048xf32> to vector<1x2048xf32>
    %sub3A = arith.constant 2.000000e+02 : f32
    %sub3A_11 = vector.broadcast %sub3A : f32 to vector<1x2048xf32>
    %sub3A_12 = arith.subf %sub3A_11, %slice3A : vector<1x2048xf32>
    %add3A = arith.constant 9.99999993E-9 : f32
    %add3A_13 = vector.broadcast %add3A : f32 to vector<1x2048xf32>
    %add3A_14 = arith.addf %sub3A_12, %add3A_13 : vector<1x2048xf32>
    %div3A = vector.broadcast %add3A_14 : vector<1x2048xf32> to vector<64x2048xf32>
    %div3A_15 = arith.divf %dot_general3A_10, %div3A : vector<64x2048xf32>
    %get3A_16 = arith.constant 0 : index
    %get3A_17 = arith.constant 0 : index
    %get3A_18 = vector.load %arg4[%get3A_16, %get3A_17] : memref<64x1xf32, #tpu.memory_space<vmem>>, vector<64x1xf32>
    %add3A_19 = vector.broadcast %get3A_18 : vector<64x1xf32> to vector<64x2048xf32>
    %add3A_20 = arith.addf %div3A_15, %add3A_19 : vector<64x2048xf32>
    %max3A = arith.constant 0.000000e+00 : f32
    %max3A_21 = vector.broadcast %max3A : f32 to vector<64x2048xf32>
    %max3A_22 = arith.maximumf %add3A_20, %max3A_21 : vector<64x2048xf32>
    %get3A_23 = arith.constant 0 : index
    %get3A_24 = arith.constant 0 : index
    %get3A_25 = vector.load %arg5[%get3A_23, %get3A_24] : memref<64x64xf32, #tpu.memory_space<vmem>>, vector<64x64xf32>
    %dot_general3A_26 = arith.constant dense<0.000000e+00> : vector<64x2048xf32>
    %dot_general3A_27 = tpu.matmul %get3A_25, %max3A_22, %dot_general3A_26 {dimension_numbers = #tpu.dot_dimension_numbers<[1], [0], [0], [1], [0, 0, 1, 1], [], []>, transpose_lhs_hint = false} : vector<64x64xf32>, vector<64x2048xf32>, vector<64x2048xf32> -> vector<64x2048xf32>
    %get3A_28 = arith.constant 0 : index
    %get3A_29 = arith.constant 0 : index
    %get3A_30 = vector.load %arg6[%get3A_28, %get3A_29] : memref<64x1xf32, #tpu.memory_space<vmem>>, vector<64x1xf32>
    %add3A_31 = vector.broadcast %get3A_30 : vector<64x1xf32> to vector<64x2048xf32>
    %add3A_32 = arith.addf %dot_general3A_27, %add3A_31 : vector<64x2048xf32>
    %max3A_33 = arith.constant 0.000000e+00 : f32
    %max3A_34 = vector.broadcast %max3A_33 : f32 to vector<64x2048xf32>
    %max3A_35 = arith.maximumf %add3A_32, %max3A_34 : vector<64x2048xf32>
    %get3A_36 = arith.constant 0 : index
    %get3A_37 = arith.constant 0 : index
    %get3A_38 = vector.load %arg7[%get3A_36, %get3A_37] : memref<32x64xf32, #tpu.memory_space<vmem>>, vector<32x64xf32>
    %dot_general3A_39 = arith.constant dense<0.000000e+00> : vector<32x2048xf32>
    %dot_general3A_40 = tpu.matmul %get3A_38, %max3A_35, %dot_general3A_39 {dimension_numbers = #tpu.dot_dimension_numbers<[1], [0], [0], [1], [0, 0, 1, 1], [], []>, transpose_lhs_hint = false} : vector<32x64xf32>, vector<64x2048xf32>, vector<32x2048xf32> -> vector<32x2048xf32>
    %get3A_41 = arith.constant 0 : index
    %get3A_42 = arith.constant 0 : index
    %get3A_43 = vector.load %arg8[%get3A_41, %get3A_42] : memref<32x1xf32, #tpu.memory_space<vmem>>, vector<32x1xf32>
    %add3A_44 = vector.broadcast %get3A_43 : vector<32x1xf32> to vector<32x2048xf32>
    %add3A_45 = arith.addf %dot_general3A_40, %add3A_44 : vector<32x2048xf32>
    %swap3A = arith.constant 0 : index
    %swap3A_46 = arith.constant 0 : index
    %swap3A_47 = vector.load %arg10[%swap3A, %swap3A_46] : memref<32x2048xf32, #tpu.memory_space<vmem>>, vector<32x2048xf32>
    tpu.vector_store %arg10[%swap3A, %swap3A_46], %add3A_45 {strides = array<i32>} : memref<32x2048xf32, #tpu.memory_space<vmem>>, vector<32x2048xf32>,
    return
  }
  func.func @transform_0(%arg0: i32) -> (i32, i32) {
    %c0_i32 = arith.constant 0 : i32
    %c0_i32_0 = arith.constant 0 : i32
    return %c0_i32, %arg0 : i32, i32
  }
  func.func @transform_1(%arg0: i32) -> (i32, i32) {
    %c0_i32 = arith.constant 0 : i32
    %c0_i32_0 = arith.constant 0 : i32
    %c0_i32_1 = arith.constant 0 : i32
    return %c0_i32, %c0_i32_0 : i32, i32
  }
  func.func @transform_2(%arg0: i32) -> (i32, i32) {
    %c0_i32 = arith.constant 0 : i32
    %c0_i32_0 = arith.constant 0 : i32
    %c0_i32_1 = arith.constant 0 : i32
    return %c0_i32, %c0_i32_0 : i32, i32
  }
  func.func @transform_3(%arg0: i32) -> (i32, i32) {
    %c0_i32 = arith.constant 0 : i32
    %c0_i32_0 = arith.constant 0 : i32
    %c0_i32_1 = arith.constant 0 : i32
    return %c0_i32, %c0_i32_0 : i32, i32
  }
  func.func @transform_4(%arg0: i32) -> (i32, i32) {
    %c0_i32 = arith.constant 0 : i32
    %c0_i32_0 = arith.constant 0 : i32
    %c0_i32_1 = arith.constant 0 : i32
    return %c0_i32, %c0_i32_0 : i32, i32
  }
  func.func @transform_5(%arg0: i32) -> (i32, i32) {
    %c0_i32 = arith.constant 0 : i32
    %c0_i32_0 = arith.constant 0 : i32
    %c0_i32_1 = arith.constant 0 : i32
    return %c0_i32, %c0_i32_0 : i32, i32
  }
  func.func @transform_6(%arg0: i32) -> (i32, i32) {
    %c0_i32 = arith.constant 0 : i32
    %c0_i32_0 = arith.constant 0 : i32
    %c0_i32_1 = arith.constant 0 : i32
    return %c0_i32, %c0_i32_0 : i32, i32
  }
  func.func @transform_7(%arg0: i32) -> (i32, i32) {
    %c0_i32 = arith.constant 0 : i32
    %c0_i32_0 = arith.constant 0 : i32
    %c0_i32_1 = arith.constant 0 : i32
    return %c0_i32, %c0_i32_0 : i32, i32
  }
  func.func @transform_8(%arg0: i32) -> (i32, i32) {
    %add3A = arith.constant 4 : i32
    %add3A_0 = arith.addi %arg0, %add3A : i32
    %c0_i32 = arith.constant 0 : i32
    %c0_i32_1 = arith.constant 0 : i32
    return %c0_i32, %add3A_0 : i32, i32
  }
  func.func @transform_9(%arg0: i32) -> (i32, i32) {
    %add3A = arith.constant 4 : i32
    %add3A_0 = arith.addi %arg0, %add3A : i32
    %c0_i32 = arith.constant 0 : i32
    %c0_i32_1 = arith.constant 0 : i32
    return %c0_i32, %add3A_0 : i32, i32
  }
}

module attributes {stable_mosaic.version = 14 : i64} {
  func.func @_tc_mlp_t_noalias(%arg0: i32, %arg1: memref<96x2048xf32, #tpu.memory_space<vmem>>, %arg2: memref<32x96xf32, #tpu.memory_space<vmem>>, %arg3: memref<64x32xf32, #tpu.memory_space<vmem>>, %arg4: memref<64x1xf32, #tpu.memory_space<vmem>>, %arg5: memref<64x64xf32, #tpu.memory_space<vmem>>, %arg6: memref<64x1xf32, #tpu.memory_space<vmem>>, %arg7: memref<32x64xf32, #tpu.memory_space<vmem>>, %arg8: memref<32x1xf32, #tpu.memory_space<vmem>>, %arg9: memref<32x2048xf32, #tpu.memory_space<vmem>>) attributes {dimension_semantics = [#tpu.dimension_semantics<arbitrary>], iteration_bounds = array<i64: 4>, scalar_prefetch = 0 : i64, scratch_operands = 0 : i64, tpu.core_type = #tpu.core_type<tc>, window_params = [{transform_indices = @transform_0, window_bounds = array<i64: 96, 2048>}, {pipeline_mode = #tpu.pipeline_mode<synchronous>, transform_indices = @transform_1, window_bounds = array<i64: 32, 96>}, {pipeline_mode = #tpu.pipeline_mode<synchronous>, transform_indices = @transform_2, window_bounds = array<i64: 64, 32>}, {pipeline_mode = #tpu.pipeline_mode<synchronous>, transform_indices = @transform_3, window_bounds = array<i64: 64, 1>}, {pipeline_mode = #tpu.pipeline_mode<synchronous>, transform_indices = @transform_4, window_bounds = array<i64: 64, 64>}, {pipeline_mode = #tpu.pipeline_mode<synchronous>, transform_indices = @transform_5, window_bounds = array<i64: 64, 1>}, {pipeline_mode = #tpu.pipeline_mode<synchronous>, transform_indices = @transform_6, window_bounds = array<i64: 32, 64>}, {pipeline_mode = #tpu.pipeline_mode<synchronous>, transform_indices = @transform_7, window_bounds = array<i64: 32, 1>}, {transform_indices = @transform_8, window_bounds = array<i64: 32, 2048>}]} {
    %get3A = arith.constant 0 : index
    %get3A_0 = arith.constant 0 : index
    %get3A_1 = vector.load %arg1[%get3A, %get3A_0] : memref<96x2048xf32, #tpu.memory_space<vmem>>, vector<96x2048xf32>
    %get3A_2 = arith.constant 0 : index
    %get3A_3 = arith.constant 0 : index
    %get3A_4 = vector.load %arg3[%get3A_2, %get3A_3] : memref<64x32xf32, #tpu.memory_space<vmem>>, vector<64x32xf32>
    %get3A_5 = arith.constant 0 : index
    %get3A_6 = arith.constant 0 : index
    %get3A_7 = vector.load %arg2[%get3A_5, %get3A_6] : memref<32x96xf32, #tpu.memory_space<vmem>>, vector<32x96xf32>
    %dot_general3A = arith.constant dense<0.000000e+00> : vector<64x96xf32>
    %dot_general3A_8 = tpu.matmul %get3A_4, %get3A_7, %dot_general3A {dimension_numbers = #tpu.dot_dimension_numbers<[1], [0], [0], [1], [0, 0, 1, 1], [], []>, transpose_lhs_hint = false} : vector<64x32xf32>, vector<32x96xf32>, vector<64x96xf32> -> vector<64x96xf32>
    %dot_general3A_9 = arith.constant dense<0.000000e+00> : vector<64x2048xf32>
    %dot_general3A_10 = tpu.matmul %dot_general3A_8, %get3A_1, %dot_general3A_9 {dimension_numbers = #tpu.dot_dimension_numbers<[1], [0], [0], [1], [0, 0, 1, 1], [], []>, transpose_lhs_hint = false} : vector<64x96xf32>, vector<96x2048xf32>, vector<64x2048xf32> -> vector<64x2048xf32>
    %slice3A = vector.extract_strided_slice %get3A_1 {offsets = [0, 0], sizes = [1, 2048], strides = [1, 1]} : vector<96x2048xf32> to vector<1x2048xf32>
    %sub3A = arith.constant 2.000000e+02 : f32
    %sub3A_11 = vector.broadcast %sub3A : f32 to vector<1x2048xf32>
    %sub3A_12 = arith.subf %sub3A_11, %slice3A : vector<1x2048xf32>
    %add3A = arith.constant 9.99999993E-9 : f32
    %add3A_13 = vector.broadcast %add3A : f32 to vector<1x2048xf32>
    %add3A_14 = arith.addf %sub3A_12, %add3A_13 : vector<1x2048xf32>
    %div3A = vector.broadcast %add3A_14 : vector<1x2048xf32> to vector<64x2048xf32>
    %div3A_15 = arith.divf %dot_general3A_10, %div3A : vector<64x2048xf32>
    %get3A_16 = arith.constant 0 : index
    %get3A_17 = arith.constant 0 : index
    %get3A_18 = vector.load %arg4[%get3A_16, %get3A_17] : memref<64x1xf32, #tpu.memory_space<vmem>>, vector<64x1xf32>
    %add3A_19 = vector.broadcast %get3A_18 : vector<64x1xf32> to vector<64x2048xf32>
    %add3A_20 = arith.addf %div3A_15, %add3A_19 : vector<64x2048xf32>
    %max3A = arith.constant 0.000000e+00 : f32
    %max3A_21 = vector.broadcast %max3A : f32 to vector<64x2048xf32>
    %max3A_22 = arith.maximumf %add3A_20, %max3A_21 : vector<64x2048xf32>
    %get3A_23 = arith.constant 0 : index
    %get3A_24 = arith.constant 0 : index
    %get3A_25 = vector.load %arg5[%get3A_23, %get3A_24] : memref<64x64xf32, #tpu.memory_space<vmem>>, vector<64x64xf32>
    %dot_general3A_26 = arith.constant dense<0.000000e+00> : vector<64x2048xf32>
    %dot_general3A_27 = tpu.matmul %get3A_25, %max3A_22, %dot_general3A_26 {dimension_numbers = #tpu.dot_dimension_numbers<[1], [0], [0], [1], [0, 0, 1, 1], [], []>, transpose_lhs_hint = false} : vector<64x64xf32>, vector<64x2048xf32>, vector<64x2048xf32> -> vector<64x2048xf32>
    %get3A_28 = arith.constant 0 : index
    %get3A_29 = arith.constant 0 : index
    %get3A_30 = vector.load %arg6[%get3A_28, %get3A_29] : memref<64x1xf32, #tpu.memory_space<vmem>>, vector<64x1xf32>
    %add3A_31 = vector.broadcast %get3A_30 : vector<64x1xf32> to vector<64x2048xf32>
    %add3A_32 = arith.addf %dot_general3A_27, %add3A_31 : vector<64x2048xf32>
    %max3A_33 = arith.constant 0.000000e+00 : f32
    %max3A_34 = vector.broadcast %max3A_33 : f32 to vector<64x2048xf32>
    %max3A_35 = arith.maximumf %add3A_32, %max3A_34 : vector<64x2048xf32>
    %get3A_36 = arith.constant 0 : index
    %get3A_37 = arith.constant 0 : index
    %get3A_38 = vector.load %arg7[%get3A_36, %get3A_37] : memref<32x64xf32, #tpu.memory_space<vmem>>, vector<32x64xf32>
    %dot_general3A_39 = arith.constant dense<0.000000e+00> : vector<32x2048xf32>
    %dot_general3A_40 = tpu.matmul %get3A_38, %max3A_35, %dot_general3A_39 {dimension_numbers = #tpu.dot_dimension_numbers<[1], [0], [0], [1], [0, 0, 1, 1], [], []>, transpose_lhs_hint = false} : vector<32x64xf32>, vector<64x2048xf32>, vector<32x2048xf32> -> vector<32x2048xf32>
    %get3A_41 = arith.constant 0 : index
    %get3A_42 = arith.constant 0 : index
    %get3A_43 = vector.load %arg8[%get3A_41, %get3A_42] : memref<32x1xf32, #tpu.memory_space<vmem>>, vector<32x1xf32>
    %add3A_44 = vector.broadcast %get3A_43 : vector<32x1xf32> to vector<32x2048xf32>
    %add3A_45 = arith.addf %dot_general3A_40, %add3A_44 : vector<32x2048xf32>
    %swap3A = arith.constant 0 : index
    %swap3A_46 = arith.constant 0 : index
    %swap3A_47 = vector.load %arg9[%swap3A, %swap3A_46] : memref<32x2048xf32, #tpu.memory_space<vmem>>, vector<32x2048xf32>
    tpu.vector_store %arg9[%swap3A, %swap3A_46], %add3A_45 {strides = array<i32>} : memref<32x2048xf32, #tpu.memory_space<vmem>>, vector<32x2048xf32>,
    return
  }
  func.func @transform_0(%arg0: i32) -> (i32, i32) {
    %c0_i32 = arith.constant 0 : i32
    %c0_i32_0 = arith.constant 0 : i32
    return %c0_i32, %arg0 : i32, i32
  }
  func.func @transform_1(%arg0: i32) -> (i32, i32) {
    %c0_i32 = arith.constant 0 : i32
    %c0_i32_0 = arith.constant 0 : i32
    %c0_i32_1 = arith.constant 0 : i32
    return %c0_i32, %c0_i32_0 : i32, i32
  }
  func.func @transform_2(%arg0: i32) -> (i32, i32) {
    %c0_i32 = arith.constant 0 : i32
    %c0_i32_0 = arith.constant 0 : i32
    %c0_i32_1 = arith.constant 0 : i32
    return %c0_i32, %c0_i32_0 : i32, i32
  }
  func.func @transform_3(%arg0: i32) -> (i32, i32) {
    %c0_i32 = arith.constant 0 : i32
    %c0_i32_0 = arith.constant 0 : i32
    %c0_i32_1 = arith.constant 0 : i32
    return %c0_i32, %c0_i32_0 : i32, i32
  }
  func.func @transform_4(%arg0: i32) -> (i32, i32) {
    %c0_i32 = arith.constant 0 : i32
    %c0_i32_0 = arith.constant 0 : i32
    %c0_i32_1 = arith.constant 0 : i32
    return %c0_i32, %c0_i32_0 : i32, i32
  }
  func.func @transform_5(%arg0: i32) -> (i32, i32) {
    %c0_i32 = arith.constant 0 : i32
    %c0_i32_0 = arith.constant 0 : i32
    %c0_i32_1 = arith.constant 0 : i32
    return %c0_i32, %c0_i32_0 : i32, i32
  }
  func.func @transform_6(%arg0: i32) -> (i32, i32) {
    %c0_i32 = arith.constant 0 : i32
    %c0_i32_0 = arith.constant 0 : i32
    %c0_i32_1 = arith.constant 0 : i32
    return %c0_i32, %c0_i32_0 : i32, i32
  }
  func.func @transform_7(%arg0: i32) -> (i32, i32) {
    %c0_i32 = arith.constant 0 : i32
    %c0_i32_0 = arith.constant 0 : i32
    %c0_i32_1 = arith.constant 0 : i32
    return %c0_i32, %c0_i32_0 : i32, i32
  }
  func.func @transform_8(%arg0: i32) -> (i32, i32) {
    %add3A = arith.constant 0 : i32
    %add3A_0 = arith.addi %arg0, %add3A : i32
    %c0_i32 = arith.constant 0 : i32
    %c0_i32_1 = arith.constant 0 : i32
    return %c0_i32, %add3A_0 : i32, i32
  }
}

</mosaic_0001>

<sc_bundles>
// kernel: kernel.6.cloned.1.call-start
scs
__scs_entry_jumppad:
0x0: {  	(pc) =	sbr.rel $0x88, $3  }
0x1: {  	(tag) =	ssettag $0x0;
	lr =	simm.s32 $0x1  }
0x2: {  	[smem:$0x3F99] =	sst lr;
	_ =	strace $0xD0000000  }
0x3: {  	_ = 	snop  }
0x4: {  	_ = 	snop  }
0x5: {  	_ = 	snop  }
0x6: {  	_ = 	snop  }
0x7: {  	_ = 	snop  }
__scs_overlays_trampoline_lowered:
0x8: {  	[smem:$0x3FA8] =	sst s0  }
0x9: {  	[smem:$0x3FA9] =	sst s1  }
0xa: {  	[smem:$0x3FAA] =	sst s2  }
0xb: {  	[smem:$0x3FAB] =	sst s3  }
0xc: {  	[smem:$0x3FAC] =	sst s4  }
0xd: {  	[smem:$0x3FAD] =	sst s5  }
0xe: {  	[smem:$0x3FAE] =	sst s6  }
0xf: {  	[smem:$0x3FAF] =	sst s7  }
0x10: {  	[smem:$0x3FB0] =	sst s8  }
0x11: {  	[smem:$0x3FB1] =	sst s9;
	s0 =	simm.s32 @!p0 $0x0  }
0x12: {  	s1 =	sld [smem:$0x3F97];
	s0 =	simm.s32 @p0 $0x1  }
0x13: {  	[smem:$0x3FB2] =	sst s0;
	s0 =	simm.s32 @!p1 $0x0  }
0x14: {  	s2 =	sld [smem:$0x3F96];
	s0 =	simm.s32 @p1 $0x1  }
0x15: {  	[smem:$0x3FB3] =	sst s0;
	s0 =	simm.s32 @!p2 $0x0  }
0x16: {  	s3 =	sld [smem:$0x3FDB];
	s0 =	simm.s32 @p2 $0x1  }
0x17: {  	s4 =	simm.s32 $0x1BF5;
	[smem:$0x3FB5] =	sst s0  }
0x18: {  	s0 =	sld [smem:$0x3F98];
	_ =	swait.ge [sflag:s4], $0x0  }
0x19: {  	s7 =	sld [smem:$0x3F99]  }
0x1a: {  	s8 =	sadd.s32 $0xFFFFE003, lr  }
0x1b: {  	s9 =	sadd.s32 $0xFFFFFEF7, lr;
	s5 =	simm.s32 $0xFFFFFFFF;
	p2 =	slt.u32 s8, $0xFFFFF086  }
0x1c: {  	p1 =	slt.u32 s9, $0xF7A;
	s5 =	simm.s32 @!p2 $0x0  }
0x1d: {  	s5 =	simm.s32 @p1 $0x1;
	p0 =	seq.s32 s7, s2  }
0x1e: {  	s7 =	smul.u32 @!p0 $0xF7A, s2;
	p2 =	seq.s32 @!p0 s5, $0x0  }
0x1f: {  	s9 =	smul.u32 $0xF7A, s1;
	s8 =	simm.s32 @!p0 $0x1BF5;
	p2 =	por !p2, p0  }
0x20: {  	[sflag:s8] =	ssyncset.s32 @!p0 $0xFFFFF086;
	s6 =	sadd.s32 @!p0 s3, s7;
	s7 =	simm.s32 @!p0 $0x108  }
0x21: {  	s3 =	sadd.s32 s3, s9;
	s6 =	sadd.s32 @!p0 $0x88, s6;
	s7 =	simm.s32 @p2 $0x1082  }
0x22: {  	[simem:s7], [sflag:s8] =	dma.local @!p0 [hbm:s6], $0xF7A  }
0x23: {  	s9 =	sor.u32 $0xD0000000, s2;
	s6 =	simm.s32 $0x108;
	_ =	swait.ge @!p0 [sflag:s8], $0x0  }
0x24: {  	s3 =	sadd.s32 $0x88, s3;
	s6 =	simm.s32 @!p1 $0x1082;
	[sflag:s4] =	ssyncset.s32 $0xFFFFF086  }
0x25: {  	[simem:s6], [sflag:s4] =	dma.local [hbm:s3], $0xF7A  }
0x26: {  	[smem:$0x3F99] =	sst s1;
	(tag) =	ssettag s2;
	_ =	strace s9  }
0x27: {  	s1 =	sld [smem:$0x3FA9]  }
0x28: {  	s2 =	sld [smem:$0x3FAA]  }
0x29: {  	s4 =	sld [smem:$0x3FAC]  }
0x2a: {  	p0 =	seq.s32 s5, $0x0;
	s5 =	sld [smem:$0x3FAD]  }
0x2b: {  	s6 =	sld [smem:$0x3FAE]  }
0x2c: {  	s7 =	sld [smem:$0x3FAF]  }
0x2d: {  	s3 =	simm.s32 $0x108;
	s8 =	sld [smem:$0x3FB0]  }
0x2e: {  	s3 =	simm.s32 @!p0 $0x1082;
	s9 =	sld [smem:$0x3FB1]  }
0x2f: {  	lr =	sadd.s32 s0, s3;
	s0 =	sld [smem:$0x3FA8]  }
0x30: {  	s3 =	sld [smem:$0x3FAB]  }
0x31: {  	[smem:$0x3FB4] =	sst s10  }
0x32: {  	s10 =	sld [smem:$0x3FB2];
	_ =	sdelay $0x3  }
0x33: {  	p0 =	seq.s32 s10, $0x1;
	s10 =	sld [smem:$0x3FB4];
	_ =	sdelay $0x3  }
0x34: {  	[smem:$0x3FB4] =	sst s10  }
0x35: {  	s10 =	sld [smem:$0x3FB3];
	_ =	sdelay $0x3  }
0x36: {  	p1 =	seq.s32 s10, $0x1;
	s10 =	sld [smem:$0x3FB4];
	_ =	sdelay $0x3  }
0x37: {  	[smem:$0x3FB4] =	sst s10  }
0x38: {  	s10 =	sld [smem:$0x3FB5]  }
0x39: {  	_ = 	snop;
	(pc) =	sbr.ind lr, $3  }
0x3a: {  	_ = 	snop  }
0x3b: {  	_ = 	snop  }
0x3c: {  	p2 =	seq.s32 s10, $0x1;
	s10 =	sld [smem:$0x3FB4]  }
0x3d: {  	_ =	shalt  }
0x3e: {  	_ =	shalt  }
0x3f: {  	_ =	shalt  }
0x40: {  	_ =	shalt  }
0x41: {  	_ =	shalt  }
0x42: {  	_ =	shalt  }
0x43: {  	_ =	shalt  }
0x44: {  	_ =	shalt  }
0x45: {  	_ =	shalt  }
0x46: {  	_ =	shalt  }
0x47: {  	_ =	shalt  }
0x48: {  	_ =	shalt  }
0x49: {  	_ =	shalt  }
0x4a: {  	_ =	shalt  }
0x4b: {  	_ =	shalt  }
0x4c: {  	_ =	shalt  }
0x4d: {  	_ =	shalt  }
0x4e: {  	_ =	shalt  }
0x4f: {  	_ =	shalt  }
0x50: {  	_ =	shalt  }
0x51: {  	_ =	shalt  }
0x52: {  	_ =	shalt  }
0x53: {  	_ =	shalt  }
0x54: {  	_ =	shalt  }
0x55: {  	_ =	shalt  }
0x56: {  	_ =	shalt  }
0x57: {  	_ =	shalt  }
0x58: {  	_ =	shalt  }
0x59: {  	_ =	shalt  }
0x5a: {  	_ =	shalt  }
0x5b: {  	_ =	shalt  }
0x5c: {  	_ =	shalt  }
0x5d: {  	_ =	shalt  }
0x5e: {  	_ =	shalt  }
0x5f: {  	_ =	shalt  }
0x60: {  	_ =	shalt  }
0x61: {  	_ =	shalt  }
0x62: {  	_ =	shalt  }
0x63: {  	_ =	shalt  }
0x64: {  	_ =	shalt  }
0x65: {  	_ =	shalt  }
0x66: {  	_ =	shalt  }
0x67: {  	_ =	shalt  }
0x68: {  	_ =	shalt  }
0x69: {  	_ =	shalt  }
0x6a: {  	_ =	shalt  }
0x6b: {  	_ =	shalt  }
0x6c: {  	_ =	shalt  }
0x6d: {  	_ =	shalt  }
0x6e: {  	_ =	shalt  }
0x6f: {  	_ =	shalt  }
0x70: {  	_ =	shalt  }
0x71: {  	_ =	shalt  }
0x72: {  	_ =	shalt  }
0x73: {  	_ =	shalt  }
0x74: {  	_ =	shalt  }
0x75: {  	_ =	shalt  }
0x76: {  	_ =	shalt  }
0x77: {  	_ =	shalt  }
0x78: {  	_ =	shalt  }
0x79: {  	_ =	shalt  }
0x7a: {  	_ =	shalt  }
0x7b: {  	_ =	shalt  }
0x7c: {  	_ =	shalt  }
0x7d: {  	_ =	shalt  }
0x7e: {  	_ =	shalt  }
0x7f: {  	_ =	shalt  }
0x80: {  	_ =	shalt  }
0x81: {  	_ =	shalt  }
0x82: {  	_ =	shalt  }
0x83: {  	_ =	shalt  }
0x84: {  	_ =	shalt  }
0x85: {  	_ =	shalt  }
0x86: {  	_ =	shalt  }
0x87: {  	_ =	shalt  }
.Lfunc_end0:
.L_simem_size_0:
called_computation_lowered:
.L_overlay_start_0:
0x88: {  	s2 =	sld [smem:$0x3FD9]  }
0x89: {  	s3 =	sld [smem:$0x3FFE];
	_ =	sdelay $0x1  }
0x8a: {  	s1 =	srdreg.scid  }
0x8b: {  	s0 =	sand.u32 $0x1, s1  }
0x8c: {  	s17 =	sshll.u32 s0, $0xA;
	s2 =	sadd.s32 s3, s2  }
0x8d: {  	s2 =	sadd.s32 s2, s17  }
0x8e: {  	[smem:$0x3FC0] =	sst s2  }
0x8f: {  	_ = 	snop  }
0x90: {  	s2 =	sld [smem:$0x3FC9];
	(tm) =	ssettm $0x1  }
0x91: {  	s18 =	sld [smem:$0x3FFB];
	_ =	sdelay $0x3  }
0x92: {  	_ =	strace s18  }
0x93: {  	s3 =	sld [smem:$0x3FFC];
	_ =	sdelay $0x3  }
0x94: {  	_ =	strace s3  }
0x95: {  	s3 =	sld [smem:$0x3FFD];
	_ =	sdelay $0x3  }
0x96: {  	_ =	strace s3  }
0x97: {  	_ =	strace $0x8FFFFFFF  }
0x98: {  	s19 =	sld [smem:$0x3FDB];
	_ =	sdelay $0x1  }
0x99: {  	s4 =	simm.s32 $_scs_section_size  }
0x9a: {  	s5 =	simm.s32 $_size__tile_overlayer_lowered;
	s6 =	simm.s32 $_tile_overlayer_lowered  }
0x9b: {  	s22 =	simm.s32 $0x1BFF;
	s21 =	sshll.u32 s6, $0x1;
	s3 =	sadd.s32 s4, s19  }
0x9c: {  	s7 =	simm.s32 $0x0;
	s20 =	sshll.u32 s5, $0x1;
	s5 =	sadd.s32 s21, s3  }
0x9d: {  	[timem:s7], [sflag:s22] =	dma.local [hbm:s5], s20  }
0x9e: {  	_ =	swait.ge [sflag:s22], s20  }
0x9f: {  	s4 =	ssub.s32 $0x0, s20;
	[sflag:s22] =	ssyncset.done $0x0  }
0xa0: {  	[sflag:s22] =	ssyncadd.s32 s4;
	_ =	sdelay $0x1  }
0xa1: {  	s23 =	simm.s32 $0x1B8B  }
0xa2: {  	_ =	swait.ge [sflag:s23], $0x1  }
0xa3: {  	[sflag:s23] =	ssyncset.done $0x0  }
0xa4: {  	s25 =	simm.s32 $0x1B8E;
	s24 =	sld [smem:$0x3FFE];
	[sflag:s23] =	ssyncadd.s32 $0xFFFFFFFF  }
0xa5: {  	s26 =	simm.s32 $execute0_lowered;
	[smem:$0x3FD2] =	sst s25  }
0xa6: {  	s5 =	sshll.u32 s26, $0x1;
	_ =	strace $0x80000046;
	[dreg:$0x1] =	wrdreg $0xFFFFFFFF  }
0xa7: {  	s28 =	simm.s32 $_size_execute0_lowered;
	s3 =	sadd.s32 s3, s5;
	[dreg:$0x0] =	wrdreg $0x0  }
0xa8: {  	s5 =	sshll.u32 s28, $0x1;
	[dreg:$0x2] =	wrdreg s3  }
0xa9: {  	[dreg:$0x3] =	wrdreg s5  }
0xaa: {  	[dreg:$0x4] =	wrdreg $0xC0  }
0xab: {  	_ =	task [dreg:s7], $0x5FFFF  }
0xac: {  	[dreg:$0x1] =	wrdreg $0xFFFFFFFF  }
0xad: {  	[dreg:$0x0] =	wrdreg $0x60  }
0xae: {  	[dreg:$0x2] =	wrdreg s2  }
0xaf: {  	[dreg:$0x3] =	wrdreg s24  }
0xb0: {  	[dreg:$0x4] =	wrdreg $0x9  }
0xb1: {  	_ =	task.clear_ibuf [dreg:s7], $0x5FFFF;
	_ =	strace $0x90000046  }
0xb2: {  	s29 =	simm.s32 $0x9;
	_ =	strace $0x80000048  }
0xb3: {  	_ =	swait.ge [sflag:s29], $0x1  }
0xb4: {  	[sflag:s29] =	ssyncadd.s32 $0xFFFFFFFF  }
0xb5: {  	_ =	strace $0x90000048  }
0xb6: {  	_ =	sfence  }
0xb7: {  	s30 =	sld [smem:$0x0];
	_ =	sdelay $0x2  }
0xb8: {  	s31 =	sshll.u32 s1, $0xD;
	s1 =	sshrl.u32 s1, $0x2  }
0xb9: {  	s3 =	sand.u32 $0x4000, s31;
	s1 =	sadd.s32 s1, s30  }
0xba: {  	s0 =	sor.u32 s3, s0;
	s1 =	sshll.u32 s1, $0x11  }
0xbb: {  	s0 =	sor.u32 s1, s0  }
0xbc: {  	s0 =	sadd.s32 $0x8F2B, s0  }
0xbd: {  	[sflag:s0] =	ssyncadd.remote.s32 $0x1  }
0xbe: {  	_ =	sfence.sel $0xFFFF  }
0xbf: {  	[dreg:$0x0] =	wrdreg $0xFFFFFFFF;
	(pc) =	sbr.abs _section_cstart, $3  }
0xc0: {  	[dreg:$0x1] =	wrdreg $0xFFFFFFFF  }
0xc1: {  	_ =	task.clear_ibuf [dreg:s7], $0x2FFFF;
	_ =	strace $0x9FFFFFFF  }
0xc2: {  	(tm) =	ssettm $0x7FFFFFFF  }
0xc3: {  	_ =	shalt  }
tec
execute0_lowered:
.L_overlay_start_1:
0x0: {  	(tag) =	ssettag $0x1  }
0x1: {  	s3 =	rddreg [dreg:$0x0]  }
0x2: {  	s4 =	rddreg [dreg:$0x1];
	s2 =	srdreg.scid  }
0x3: {  	s0 =	rddreg [dreg:$0x2];
	s1 =	stileid.u32;
	s8 =	simm.s32 $0x20000  }
0x4: {  	s9 =	simm.s32 $0x6400;
	s10 =	simm.s32 $0x1;
	s11 =	simm.s32 $0xC800  }
0x5: {  	s12 =	simm.s32 $0x2;
	s13 =	simm.s32 $0x800;
	s14 =	simm.s32 $0x10000  }
0x6: {  	v0 =	vlaneseq.u32;
	v1 =	vimm.f32 $0.0e+00;
	v9 =	vimm.f32 $1.000000000e+00;
	s15 =	simm.s32 $0x3;
	s16 =	simm.s32 $0x0;
	s5 =	sand.u32 $0x1, s2  }
0x7: {  	s2 =	simm.s32 $0x0;
	s6 =	sshll.u32 s1, $0x9;
	v2 =	vor.u32 $0x10, v0;
	v3 =	vor.u32 $0x20, v0;
	v4 =	vor.u32 $0x30, v0;
	s7 =	sshll.u32 s5, $0x8  }
0x8: {  	v5 =	vor.u32 $0x40, v0;
	v6 =	vor.u32 $0x50, v0;
	v7 =	vor.u32 $0x60, v0;
	[smem:$0x7FF] =	sst s2;
	s5 =	ssub.s32 $0x2, s5;
	s6 =	sor.u32 s7, s6  }
0x9: {  	v8 =	vor.u32 $0x70, v0;
	v10 =	vor.u32 $0x400, v0;
	v11 =	vor.u32 $0x410, v0;
	_ =	strace $0x80000047;
	s31 =	sshrl.u32 s5, $0x1;
	s3 =	sadd.s32 s3, s6  }
0xa: {  	v12 =	vor.u32 $0x420, v0;
	v13 =	vor.u32 $0x430, v0;
	v14 =	vor.u32 $0x440, v0;
	s6 =	sadd.s32 s6, s4;
	s7 =	ssub.s32 s5, s31;
	s4 =	sadd.s32 $0x80, s3  }
0xb: {  	v15 =	vor.u32 $0x450, v0;
	v16 =	vor.u32 $0x460, v0;
	v17 =	vor.u32 $0x470, v0;
	s5 =	sadd.s32 $0x1A00, s6;
	s6 =	smax.u32 s7, $0x1;
	s7 =	simm.s32 $0x400  }
.LBB2_1:
0xc: {  	[tilespmem:s2], [sflag:$0x1] =	stream.strided.gather [hbm4b:s3+s7], $0x6400, s8, s7, $0x38;
	[tilespmem:$0x12800] =	vst v63  }
0xd: {  	s17 =	sand.u32 $0x7800, s2;
	s18 =	sand.u32 $0x300, s2  }
0xe: {  	s17 =	sor.u32 s18, s17  }
0xf: {  	[tilespmem:s17+$0xCCF0] =	vst v1  }
0x10: {  	[tilespmem:s17+$0xC800] =	vst v1  }
0x11: {  	[tilespmem:s17+$0xC810] =	vst v1  }
0x12: {  	[tilespmem:s17+$0xC820] =	vst v1  }
0x13: {  	[tilespmem:s17+$0xC830] =	vst v1  }
0x14: {  	[tilespmem:s17+$0xC840] =	vst v1  }
0x15: {  	[tilespmem:s17+$0xC850] =	vst v1  }
0x16: {  	[tilespmem:s17+$0xC860] =	vst v1  }
0x17: {  	[tilespmem:s17+$0xC870] =	vst v1  }
0x18: {  	[tilespmem:s17+$0xCC00] =	vst v1  }
0x19: {  	[tilespmem:s17+$0xCC10] =	vst v1  }
0x1a: {  	[tilespmem:s17+$0xCC20] =	vst v1  }
0x1b: {  	[tilespmem:s17+$0xCC30] =	vst v1  }
0x1c: {  	[tilespmem:s17+$0xCC40] =	vst v1  }
0x1d: {  	[tilespmem:s17+$0xCC50] =	vst v1  }
0x1e: {  	[tilespmem:s17+$0xCC60] =	vst v1  }
0x1f: {  	[tilespmem:s17+$0xCC70] =	vst v1  }
0x20: {  	[tilespmem:s17+$0xC880] =	vst v1  }
0x21: {  	[tilespmem:s17+$0xC890] =	vst v1  }
0x22: {  	[tilespmem:s17+$0xC8A0] =	vst v1  }
0x23: {  	[tilespmem:s17+$0xC8B0] =	vst v1  }
0x24: {  	[tilespmem:s17+$0xC8C0] =	vst v1  }
0x25: {  	[tilespmem:s17+$0xC8D0] =	vst v1  }
0x26: {  	[tilespmem:s17+$0xC8E0] =	vst v1  }
0x27: {  	[tilespmem:s17+$0xC8F0] =	vst v1  }
0x28: {  	[tilespmem:s17+$0xCC80] =	vst v1  }
0x29: {  	[tilespmem:s17+$0xCC90] =	vst v1  }
0x2a: {  	[tilespmem:s17+$0xCCA0] =	vst v1  }
0x2b: {  	[tilespmem:s17+$0xCCB0] =	vst v1  }
0x2c: {  	s19 =	simm.s32 $0x100;
	s20 =	simm.s32 $0x200;
	s18 =	simm.s32 $0x0;
	[tilespmem:s17+$0xCCC0] =	vst v1  }
.LBB2_2:
0x2d: {  	s21 =	sand.u32 $0x7800, s20;
	s22 =	sand.u32 $0x300, s19;
	s18 =	sadd.s32 $0x2, s18;
	[tilespmem:s17+$0xCCD0] =	vst v1  }
0x2e: {  	p0 =	slt.u32 s18, $0x5E;
	[tilespmem:s17+$0xCCE0] =	vst v1;
	s17 =	sor.u32 s22, s21  }
0x2f: {  	[tilespmem:s17+$0xCCF0] =	vst v1  }
0x30: {  	[tilespmem:s17+$0xC800] =	vst v1  }
0x31: {  	[tilespmem:s17+$0xC810] =	vst v1  }
0x32: {  	[tilespmem:s17+$0xC820] =	vst v1  }
0x33: {  	[tilespmem:s17+$0xC830] =	vst v1  }
0x34: {  	[tilespmem:s17+$0xC840] =	vst v1  }
0x35: {  	[tilespmem:s17+$0xC850] =	vst v1  }
0x36: {  	[tilespmem:s17+$0xC860] =	vst v1  }
0x37: {  	[tilespmem:s17+$0xC870] =	vst v1  }
0x38: {  	[tilespmem:s17+$0xCC00] =	vst v1  }
0x39: {  	[tilespmem:s17+$0xCC10] =	vst v1  }
0x3a: {  	[tilespmem:s17+$0xCC20] =	vst v1  }
0x3b: {  	[tilespmem:s17+$0xCC30] =	vst v1  }
0x3c: {  	[tilespmem:s17+$0xCC40] =	vst v1  }
0x3d: {  	[tilespmem:s17+$0xCC50] =	vst v1  }
0x3e: {  	[tilespmem:s17+$0xCC60] =	vst v1  }
0x3f: {  	[tilespmem:s17+$0xCC70] =	vst v1  }
0x40: {  	[tilespmem:s17+$0xC880] =	vst v1  }
0x41: {  	[tilespmem:s17+$0xC890] =	vst v1  }
0x42: {  	[tilespmem:s17+$0xC8A0] =	vst v1  }
0x43: {  	[tilespmem:s17+$0xC8B0] =	vst v1  }
0x44: {  	[tilespmem:s17+$0xC8C0] =	vst v1  }
0x45: {  	[tilespmem:s17+$0xC8D0] =	vst v1  }
0x46: {  	[tilespmem:s17+$0xC8E0] =	vst v1  }
0x47: {  	[tilespmem:s17+$0xC8F0] =	vst v1  }
.Ltmp0:
0x48: {  	[tilespmem:s17+$0xCC80] =	vst v1;
	(pc) =	sbr.rel @p0 .LBB2_2-.Ltmp0, $4  }
0x49: {  	[tilespmem:s17+$0xCC90] =	vst v1  }
0x4a: {  	[tilespmem:s17+$0xCCA0] =	vst v1  }
0x4b: {  	[tilespmem:s17+$0xCCB0] =	vst v1  }
0x4c: {  	s19 =	sadd.s32 $0x100, s19;
	s20 =	sadd.s32 $0x200, s20;
	[tilespmem:s17+$0xCCC0] =	vst v1  }
0x4d: {  	[tilespmem:s17+$0xCCD0] =	vst v1;
	s19 =	simm.s32 $0x0  }
0x4e: {  	[tilespmem:s17+$0xCCE0] =	vst v1;
	v18 =	vor.u32 s19, v0  }
0x4f: {  	[tilespmem:s9], [sflag:$0x2] =	stream.strided.gather [hbm4b:s4+s7], $0x6400, s8, s7, $0x38;
	v21 =	vor.u32 s19, v2;
	[tilespmem:$0x12800] =	vst v63  }
0x50: {  	v23 =	vor.u32 s19, v4;
	_ =	swait.ge [sflag:s10], $0x6400  }
0x51: {  	[sflag:s10] =	ssyncset.done $0x0  }
0x52: {  	[sflag:s10] =	ssyncadd.s32 $0xFFFF9C00  }
0x53: {  	v20 =	vor.u32 s19, v5;
	v26 =	vld.idx.msk [tilespmem:v18+s2+$0x0], $0xffff  }
0x54: {  	v22 =	vld.idx.msk [tilespmem:v21+s2+$0x0], $0xffff;
	v21 =	vor.u32 s19, v3  }
0x55: {  	s18 =	simm.s32 $0x2;
	s17 =	simm.s32 $0x80;
	v19 =	vor.u32 s19, v7;
	v25 =	vor.u32 s19, v6;
	v18 =	vor.u32 s19, v8;
	v23 =	vld.idx.msk [tilespmem:v23+s2+$0x0], $0xffff  }
.LBB2_4:
0x56: {  	p0 =	slt.u32 s18, $0xC6;
	s19 =	smov.u32 s18;
	s18 =	sadd.s32 $0x2, s18  }
0x57: {  	_ = 	snop  }
0x58: {  	v20 =	vld.idx.msk [tilespmem:v20+s2+$0x0], $0xffff  }
0x59: {  	v21 =	vld.idx.msk [tilespmem:v21+s2+$0x0], $0xffff  }
0x5a: {  	v27 =	vshll.u32 v22, $0x8;
	v24 =	vld.idx.msk [tilespmem:v25+s2+$0x0], $0xffff;
	v25 =	vshll.u32 v26, $0x8;
	v26 =	vshll.u32 v26, $0x7  }
0x5b: {  	v28 =	vshll.u32 v23, $0x7;
	v25 =	vand.u32 $0xFFFFF800, v25;
	v26 =	vand.u32 $0x380, v26  }
0x5c: {  	v22 =	vshll.u32 v22, $0x7;
	v23 =	vshll.u32 v23, $0x8;
	v25 =	vor.u32 v25, v26  }
0x5d: {  	v22 =	vand.u32 $0x380, v22;
	v23 =	vand.u32 $0xFFFFF800, v23;
	v25 =	vor.u32 v0, v25  }
0x5e: {  	v26 =	vld.idx.msk [tilespmem:v19+s2+$0x0], $0xffff;
	v19 =	vand.u32 $0xFFFFF800, v27;
	v27 =	vshll.u32 v20, $0x8;
	v20 =	vshll.u32 v20, $0x7  }
0x5f: {  	v28 =	vand.u32 $0x380, v28;
	v19 =	vor.u32 v19, v22;
	v22 =	vshll.u32 v21, $0x8  }
0x60: {  	v29 =	vor.u32 v2, v19;
	v19 =	vor.u32 v23, v28;
	v28 =	vand.u32 $0x380, v20  }
0x61: {  	v27 =	vand.u32 $0xFFFFF800, v27;
	v30 =	vld.idx.msk [tilespmem:v18+s2+$0x0], $0xffff;
	v31 =	vor.u32 v4, v19;
	v18 =	vshll.u32 v24, $0x8  }
0x62: {  	s20 =	sshll.u32 s19, $0x7;
	v34 =	vshll.u32 v24, $0x7;
	v32 =	vand.u32 $0xFFFFF800, v22;
	v33 =	vand.u32 $0xFFFFF800, v18  }
0x63: {  	s19 =	sadd.s32 $0x80, s20;
	v23 =	vor.u32 s20, v0;
	v22 =	vor.u32 s20, v2;
	v18 =	vshll.u32 v21, $0x7  }
0x64: {  	v20 =	vor.u32 s20, v5;
	v24 =	vor.u32 s20, v4;
	v21 =	vand.u32 $0x380, v18  }
0x65: {  	v34 =	vand.u32 $0x380, v34;
	v19 =	vor.u32 s20, v7;
	v18 =	vor.u32 s20, v8  }
0x66: {  	v27 =	vor.u32 v27, v28;
	v28 =	vshll.u32 v26, $0x8;
	[tilespmem:v25+s11+$0x0] =	vst.idx.add.f32.msk $0xffff, v9;
	v25 =	vor.u32 v32, v21  }
0x67: {  	v27 =	vor.u32 v5, v27;
	v28 =	vand.u32 $0xFFFFF800, v28;
	v21 =	vor.u32 s20, v3;
	[tilespmem:v29+s11+$0x0] =	vst.idx.add.f32.msk $0xffff, v9  }
0x68: {  	v29 =	vor.u32 v3, v25;
	v25 =	vshll.u32 v30, $0x8;
	v30 =	vshll.u32 v30, $0x7  }
0x69: {  	v26 =	vshll.u32 v26, $0x7;
	v25 =	vand.u32 $0xFFFFF800, v25;
	v30 =	vand.u32 $0x380, v30  }
0x6a: {  	v26 =	vand.u32 $0x380, v26;
	v32 =	vor.u32 v33, v34;
	v25 =	vor.u32 v25, v30  }
0x6b: {  	v26 =	vor.u32 v28, v26;
	v30 =	vor.u32 v6, v32;
	v28 =	vor.u32 v8, v25  }
0x6c: {  	v26 =	vor.u32 v7, v26  }
0x6d: {  	v25 =	vor.u32 s20, v6;
	[tilespmem:v29+s11+$0x0] =	vst.idx.add.f32.msk $0xffff, v9  }
0x6e: {  	v29 =	vor.u32 s17, v0;
	[tilespmem:v31+s11+$0x0] =	vst.idx.add.f32.msk $0xffff, v9  }
0x6f: {  	[tilespmem:v27+s11+$0x0] =	vst.idx.add.f32.msk $0xffff, v9;
	v27 =	vor.u32 s17, v6  }
0x70: {  	[tilespmem:v30+s11+$0x0] =	vst.idx.add.f32.msk $0xffff, v9;
	v30 =	vor.u32 s17, v3  }
0x71: {  	[tilespmem:v26+s11+$0x0] =	vst.idx.add.f32.msk $0xffff, v9;
	v26 =	vor.u32 s17, v5  }
0x72: {  	[tilespmem:v28+s11+$0x0] =	vst.idx.add.f32.msk $0xffff, v9  }
0x73: {  	v28 =	vld.idx.msk [tilespmem:v29+s2+$0x0], $0xffff;
	v29 =	vor.u32 s17, v2  }
0x74: {  	v31 =	vor.u32 s17, v4;
	v27 =	vld.idx.msk [tilespmem:v27+s2+$0x0], $0xffff  }
0x75: {  	v30 =	vld.idx.msk [tilespmem:v30+s2+$0x0], $0xffff  }
0x76: {  	v26 =	vld.idx.msk [tilespmem:v26+s2+$0x0], $0xffff;
	_ =	sdelay $0x1  }
0x77: {  	v32 =	vor.u32 s17, v8;
	v29 =	vld.idx.msk [tilespmem:v29+s2+$0x0], $0xffff  }
0x78: {  	v33 =	vor.u32 s17, v7;
	s17 =	smov.u32 s19;
	v34 =	vshll.u32 v28, $0x8;
	v28 =	vshll.u32 v28, $0x7;
	v31 =	vld.idx.msk [tilespmem:v31+s2+$0x0], $0xffff  }
0x79: {  	v34 =	vand.u32 $0xFFFFF800, v34;
	v28 =	vand.u32 $0x380, v28;
	v35 =	vshll.u32 v27, $0x7  }
0x7a: {  	v28 =	vor.u32 v34, v28;
	v34 =	vshll.u32 v30, $0x8;
	v30 =	vshll.u32 v30, $0x7  }
0x7b: {  	v28 =	vor.u32 v0, v28;
	v34 =	vand.u32 $0xFFFFF800, v34;
	v36 =	vshll.u32 v26, $0x8  }
0x7c: {  	v30 =	vand.u32 $0x380, v30;
	v26 =	vshll.u32 v26, $0x7;
	v36 =	vand.u32 $0xFFFFF800, v36  }
0x7d: {  	v35 =	vand.u32 $0x380, v35;
	v26 =	vand.u32 $0x380, v26;
	v37 =	vshll.u32 v29, $0x8  }
0x7e: {  	v29 =	vshll.u32 v29, $0x7;
	v26 =	vor.u32 v36, v26;
	v38 =	vshll.u32 v31, $0x8;
	v33 =	vld.idx.msk [tilespmem:v33+s2+$0x0], $0xffff  }
0x7f: {  	v36 =	vand.u32 $0xFFFFF800, v37;
	v29 =	vand.u32 $0x380, v29;
	v26 =	vor.u32 v5, v26;
	v32 =	vld.idx.msk [tilespmem:v32+s2+$0x0], $0xffff  }
0x80: {  	[tilespmem:v28+s11+$0x0] =	vst.idx.add.f32.msk $0xffff, v9;
	v28 =	vor.u32 v36, v29;
	v29 =	vor.u32 v34, v30;
	v30 =	vshll.u32 v31, $0x7  }
0x81: {  	v27 =	vshll.u32 v27, $0x8;
	v28 =	vor.u32 v2, v28;
	v30 =	vand.u32 $0x380, v30  }
0x82: {  	v27 =	vand.u32 $0xFFFFF800, v27;
	v31 =	vand.u32 $0xFFFFF800, v38;
	v29 =	vor.u32 v3, v29  }
0x83: {  	v27 =	vor.u32 v27, v35;
	v30 =	vor.u32 v31, v30  }
0x84: {  	v30 =	vor.u32 v4, v30;
	v31 =	vshll.u32 v33, $0x8;
	v33 =	vshll.u32 v33, $0x7  }
0x85: {  	v31 =	vand.u32 $0xFFFFF800, v31;
	v33 =	vand.u32 $0x380, v33;
	v34 =	vshll.u32 v32, $0x8  }
0x86: {  	v27 =	vor.u32 v6, v27;
	[tilespmem:v28+s11+$0x0] =	vst.idx.add.f32.msk $0xffff, v9;
	v28 =	vor.u32 v31, v33;
	v31 =	vshll.u32 v32, $0x7  }
0x87: {  	[tilespmem:v29+s11+$0x0] =	vst.idx.add.f32.msk $0xffff, v9;
	v28 =	vor.u32 v7, v28;
	v29 =	vand.u32 $0xFFFFF800, v34;
	v31 =	vand.u32 $0x380, v31  }
0x88: {  	v29 =	vor.u32 v29, v31  }
0x89: {  	[tilespmem:v30+s11+$0x0] =	vst.idx.add.f32.msk $0xffff, v9;
	v29 =	vor.u32 v8, v29  }
0x8a: {  	[tilespmem:v26+s11+$0x0] =	vst.idx.add.f32.msk $0xffff, v9  }
0x8b: {  	[tilespmem:v27+s11+$0x0] =	vst.idx.add.f32.msk $0xffff, v9  }
0x8c: {  	[tilespmem:v28+s11+$0x0] =	vst.idx.add.f32.msk $0xffff, v9  }
.Ltmp1:
0x8d: {  	(pc) =	sbr.rel @p0 .LBB2_4-.Ltmp1, $4  }
0x8e: {  	[tilespmem:v29+s11+$0x0] =	vst.idx.add.f32.msk $0xffff, v9  }
0x8f: {  	v26 =	vld.idx.msk [tilespmem:v23+s2+$0x0], $0xffff  }
0x90: {  	v22 =	vld.idx.msk [tilespmem:v22+s2+$0x0], $0xffff  }
0x91: {  	v23 =	vld.idx.msk [tilespmem:v24+s2+$0x0], $0xffff  }
0x92: {  	_ =	sdelay $0x3  }
0x93: {  	v20 =	vld.idx.msk [tilespmem:v20+s2+$0x0], $0xffff  }
0x94: {  	v21 =	vld.idx.msk [tilespmem:v21+s2+$0x0], $0xffff;
	v24 =	vshll.u32 v26, $0x8;
	v26 =	vshll.u32 v26, $0x7;
	v27 =	vshll.u32 v22, $0x8  }
0x95: {  	v25 =	vld.idx.msk [tilespmem:v25+s2+$0x0], $0xffff;
	v24 =	vand.u32 $0xFFFFF800, v24;
	v26 =	vand.u32 $0x380, v26;
	v22 =	vshll.u32 v22, $0x7  }
0x96: {  	v28 =	vshll.u32 v23, $0x7;
	v24 =	vor.u32 v24, v26;
	v23 =	vshll.u32 v23, $0x8  }
0x97: {  	v22 =	vand.u32 $0x380, v22;
	v26 =	vand.u32 $0xFFFFF800, v27;
	v24 =	vor.u32 v0, v24  }
0x98: {  	v23 =	vand.u32 $0xFFFFF800, v23;
	v27 =	vshll.u32 v20, $0x8;
	v20 =	vshll.u32 v20, $0x7  }
0x99: {  	v19 =	vld.idx.msk [tilespmem:v19+s2+$0x0], $0xffff;
	v22 =	vor.u32 v26, v22;
	v26 =	vshll.u32 v21, $0x8;
	v28 =	vand.u32 $0x380, v28  }
0x9a: {  	v18 =	vld.idx.msk [tilespmem:v18+s2+$0x0], $0xffff;
	v60 =	vshll.u32 v25, $0x8;
	v25 =	vshll.u32 v25, $0x7;
	v21 =	vshll.u32 v21, $0x7  }
0x9b: {  	v22 =	vor.u32 v2, v22;
	v23 =	vor.u32 v23, v28;
	v20 =	vand.u32 $0x380, v20  }
0x9c: {  	v27 =	vand.u32 $0xFFFFF800, v27;
	v26 =	vand.u32 $0xFFFFF800, v26;
	v28 =	vand.u32 $0xFFFFF800, v60  }
0x9d: {  	v21 =	vand.u32 $0x380, v21;
	v25 =	vand.u32 $0x380, v25;
	v23 =	vor.u32 v4, v23  }
0x9e: {  	v21 =	vor.u32 v26, v21;
	v20 =	vor.u32 v27, v20;
	v26 =	vshll.u32 v19, $0x8  }
0x9f: {  	v27 =	vshll.u32 v18, $0x8;
	v18 =	vshll.u32 v18, $0x7;
	v21 =	vor.u32 v3, v21  }
0xa0: {  	v19 =	vshll.u32 v19, $0x7;
	v25 =	vor.u32 v28, v25;
	v20 =	vor.u32 v5, v20  }
0xa1: {  	v26 =	vand.u32 $0xFFFFF800, v26;
	v27 =	vand.u32 $0xFFFFF800, v27;
	v19 =	vand.u32 $0x380, v19  }
0xa2: {  	v18 =	vand.u32 $0x380, v18;
	v19 =	vor.u32 v26, v19;
	[tilespmem:v24+s11+$0x0] =	vst.idx.add.f32.msk $0xffff, v9;
	v24 =	vor.u32 v6, v25  }
0xa3: {  	v18 =	vor.u32 v27, v18;
	v19 =	vor.u32 v7, v19;
	[tilespmem:v22+s11+$0x0] =	vst.idx.add.f32.msk $0xffff, v9  }
0xa4: {  	v18 =	vor.u32 v8, v18;
	[tilespmem:v21+s11+$0x0] =	vst.idx.add.f32.msk $0xffff, v9  }
0xa5: {  	v21 =	vor.u32 s17, v0;
	[tilespmem:v23+s11+$0x0] =	vst.idx.add.f32.msk $0xffff, v9  }
0xa6: {  	v23 =	vor.u32 s17, v4;
	[tilespmem:v20+s11+$0x0] =	vst.idx.add.f32.msk $0xffff, v9  }
0xa7: {  	[tilespmem:v24+s11+$0x0] =	vst.idx.add.f32.msk $0xffff, v9  }
0xa8: {  	v20 =	vor.u32 s17, v6;
	[tilespmem:v19+s11+$0x0] =	vst.idx.add.f32.msk $0xffff, v9  }
0xa9: {  	v22 =	vor.u32 s17, v3;
	[tilespmem:v18+s11+$0x0] =	vst.idx.add.f32.msk $0xffff, v9  }
0xaa: {  	v18 =	vld.idx.msk [tilespmem:v21+s2+$0x0], $0xffff  }
0xab: {  	v19 =	vor.u32 s17, v5;
	v23 =	vld.idx.msk [tilespmem:v23+s2+$0x0], $0xffff  }
0xac: {  	v25 =	vor.u32 s17, v8  }
0xad: {  	v21 =	vor.u32 s17, v2;
	v20 =	vld.idx.msk [tilespmem:v20+s2+$0x0], $0xffff  }
0xae: {  	v22 =	vld.idx.msk [tilespmem:v22+s2+$0x0], $0xffff  }
0xaf: {  	v26 =	vor.u32 s17, v7  }
0xb0: {  	v19 =	vld.idx.msk [tilespmem:v19+s2+$0x0], $0xffff;
	v24 =	vshll.u32 v18, $0x8;
	v18 =	vshll.u32 v18, $0x7;
	v63 =	vshll.u32 v23, $0x8  }
0xb1: {  	v25 =	vld.idx.msk [tilespmem:v25+s2+$0x0], $0xffff;
	v23 =	vshll.u32 v23, $0x7;
	v24 =	vand.u32 $0xFFFFF800, v24;
	v18 =	vand.u32 $0x380, v18  }
0xb2: {  	v21 =	vld.idx.msk [tilespmem:v21+s2+$0x0], $0xffff;
	v27 =	vshll.u32 v20, $0x7;
	v23 =	vand.u32 $0x380, v23;
	v20 =	vshll.u32 v20, $0x8  }
0xb3: {  	v18 =	vor.u32 v24, v18;
	v24 =	vshll.u32 v22, $0x8;
	v22 =	vshll.u32 v22, $0x7  }
0xb4: {  	v27 =	vand.u32 $0x380, v27;
	v20 =	vand.u32 $0xFFFFF800, v20;
	v18 =	vor.u32 v0, v18  }
0xb5: {  	v24 =	vand.u32 $0xFFFFF800, v24;
	v61 =	vshll.u32 v19, $0x8;
	v22 =	vand.u32 $0x380, v22  }
0xb6: {  	v19 =	vshll.u32 v19, $0x7;
	v20 =	vor.u32 v20, v27;
	v27 =	vshll.u32 v25, $0x8  }
0xb7: {  	v26 =	vld.idx.msk [tilespmem:v26+s2+$0x0], $0xffff;
	v25 =	vshll.u32 v25, $0x7;
	v29 =	vshll.u32 v21, $0x8;
	v21 =	vshll.u32 v21, $0x7  }
0xb8: {  	v28 =	vand.u32 $0xFFFFF800, v61;
	v62 =	vand.u32 $0xFFFFF800, v29;
	v21 =	vand.u32 $0x380, v21  }
0xb9: {  	v19 =	vand.u32 $0x380, v19;
	v22 =	vor.u32 v24, v22;
	v21 =	vor.u32 v62, v21  }
0xba: {  	v24 =	vand.u32 $0xFFFFF800, v63;
	v20 =	vor.u32 v6, v20;
	v21 =	vor.u32 v2, v21  }
0xbb: {  	v19 =	vor.u32 v28, v19;
	v22 =	vor.u32 v3, v22;
	v23 =	vor.u32 v24, v23  }
0xbc: {  	v24 =	vshll.u32 v26, $0x8;
	v26 =	vshll.u32 v26, $0x7;
	v23 =	vor.u32 v4, v23  }
0xbd: {  	v19 =	vor.u32 v5, v19;
	v24 =	vand.u32 $0xFFFFF800, v24;
	v26 =	vand.u32 $0x380, v26  }
0xbe: {  	v25 =	vand.u32 $0x380, v25;
	[tilespmem:v18+s11+$0x0] =	vst.idx.add.f32.msk $0xffff, v9;
	v18 =	vor.u32 v24, v26;
	v24 =	vand.u32 $0xFFFFF800, v27  }
0xbf: {  	v18 =	vor.u32 v7, v18;
	[tilespmem:v21+s11+$0x0] =	vst.idx.add.f32.msk $0xffff, v9;
	v21 =	vor.u32 v24, v25  }
0xc0: {  	[tilespmem:v22+s11+$0x0] =	vst.idx.add.f32.msk $0xffff, v9;
	v21 =	vor.u32 v8, v21  }
0xc1: {  	[tilespmem:v23+s11+$0x0] =	vst.idx.add.f32.msk $0xffff, v9  }
0xc2: {  	[tilespmem:v19+s11+$0x0] =	vst.idx.add.f32.msk $0xffff, v9  }
0xc3: {  	s19 =	simm.s32 $0x0;
	[tilespmem:v20+s11+$0x0] =	vst.idx.add.f32.msk $0xffff, v9  }
0xc4: {  	[tilespmem:v18+s11+$0x0] =	vst.idx.add.f32.msk $0xffff, v9;
	v18 =	vor.u32 s19, v0  }
0xc5: {  	[tilespmem:v21+s11+$0x0] =	vst.idx.add.f32.msk $0xffff, v9;
	v21 =	vor.u32 s19, v2  }
0xc6: {  	v23 =	vor.u32 s19, v4;
	_ =	swait.ge [sflag:s12], $0x6400  }
0xc7: {  	[sflag:s12] =	ssyncset.done $0x0  }
0xc8: {  	[sflag:s12] =	ssyncadd.s32 $0xFFFF9C00  }
0xc9: {  	v20 =	vor.u32 s19, v5;
	v26 =	vld.idx.msk [tilespmem:v18+s9+$0x0], $0xffff  }
0xca: {  	v22 =	vld.idx.msk [tilespmem:v21+s9+$0x0], $0xffff;
	v21 =	vor.u32 s19, v3  }
0xcb: {  	s18 =	simm.s32 $0x2;
	s17 =	simm.s32 $0x80;
	v25 =	vor.u32 s19, v6;
	v19 =	vor.u32 s19, v7;
	v18 =	vor.u32 s19, v8;
	v23 =	vld.idx.msk [tilespmem:v23+s9+$0x0], $0xffff  }
.LBB2_6:
0xcc: {  	p0 =	slt.u32 s18, $0xC6;
	s19 =	smov.u32 s18;
	s18 =	sadd.s32 $0x2, s18  }
0xcd: {  	_ = 	snop  }
0xce: {  	v20 =	vld.idx.msk [tilespmem:v20+s9+$0x0], $0xffff  }
0xcf: {  	v21 =	vld.idx.msk [tilespmem:v21+s9+$0x0], $0xffff  }
0xd0: {  	v27 =	vshll.u32 v22, $0x8;
	v24 =	vld.idx.msk [tilespmem:v25+s9+$0x0], $0xffff;
	v25 =	vshll.u32 v26, $0x8;
	v26 =	vshll.u32 v26, $0x7  }
0xd1: {  	v28 =	vshll.u32 v23, $0x7;
	v25 =	vand.u32 $0xFFFFF800, v25;
	v26 =	vand.u32 $0x380, v26  }
0xd2: {  	v22 =	vshll.u32 v22, $0x7;
	v23 =	vshll.u32 v23, $0x8;
	v25 =	vor.u32 v26, v25  }
0xd3: {  	v22 =	vand.u32 $0x380, v22;
	v23 =	vand.u32 $0xFFFFF800, v23;
	v25 =	vor.u32 v10, v25  }
0xd4: {  	v26 =	vld.idx.msk [tilespmem:v19+s9+$0x0], $0xffff;
	v19 =	vand.u32 $0xFFFFF800, v27;
	v27 =	vshll.u32 v20, $0x8;
	v20 =	vshll.u32 v20, $0x7  }
0xd5: {  	v28 =	vand.u32 $0x380, v28;
	v19 =	vor.u32 v22, v19;
	v22 =	vshll.u32 v21, $0x8  }
0xd6: {  	v29 =	vor.u32 v11, v19;
	v19 =	vor.u32 v28, v23;
	v28 =	vand.u32 $0x380, v20  }
0xd7: {  	v27 =	vand.u32 $0xFFFFF800, v27;
	v30 =	vld.idx.msk [tilespmem:v18+s9+$0x0], $0xffff;
	v31 =	vor.u32 v13, v19;
	v18 =	vshll.u32 v24, $0x8  }
0xd8: {  	s20 =	sshll.u32 s19, $0x7;
	v34 =	vshll.u32 v24, $0x7;
	v32 =	vand.u32 $0xFFFFF800, v22;
	v33 =	vand.u32 $0xFFFFF800, v18  }
0xd9: {  	s19 =	sadd.s32 $0x80, s20;
	v23 =	vor.u32 s20, v0;
	v22 =	vor.u32 s20, v2;
	v18 =	vshll.u32 v21, $0x7  }
0xda: {  	v20 =	vor.u32 s20, v5;
	v24 =	vor.u32 s20, v4;
	v21 =	vand.u32 $0x380, v18  }
0xdb: {  	v34 =	vand.u32 $0x380, v34;
	v19 =	vor.u32 s20, v7;
	v18 =	vor.u32 s20, v8  }
0xdc: {  	v27 =	vor.u32 v28, v27;
	v28 =	vshll.u32 v26, $0x8;
	[tilespmem:v25+s11+$0x0] =	vst.idx.add.f32.msk $0xffff, v9;
	v25 =	vor.u32 v21, v32  }
0xdd: {  	v27 =	vor.u32 v14, v27;
	v28 =	vand.u32 $0xFFFFF800, v28;
	v21 =	vor.u32 s20, v3;
	[tilespmem:v29+s11+$0x0] =	vst.idx.add.f32.msk $0xffff, v9  }
0xde: {  	v29 =	vor.u32 v12, v25;
	v25 =	vshll.u32 v30, $0x8;
	v30 =	vshll.u32 v30, $0x7  }
0xdf: {  	v26 =	vshll.u32 v26, $0x7;
	v25 =	vand.u32 $0xFFFFF800, v25;
	v30 =	vand.u32 $0x380, v30  }
0xe0: {  	v26 =	vand.u32 $0x380, v26;
	v32 =	vor.u32 v34, v33;
	v25 =	vor.u32 v30, v25  }
0xe1: {  	v26 =	vor.u32 v26, v28;
	v30 =	vor.u32 v15, v32;
	v28 =	vor.u32 v17, v25  }
0xe2: {  	v26 =	vor.u32 v16, v26  }
0xe3: {  	v25 =	vor.u32 s20, v6;
	[tilespmem:v29+s11+$0x0] =	vst.idx.add.f32.msk $0xffff, v9  }
0xe4: {  	v29 =	vor.u32 s17, v0;
	[tilespmem:v31+s11+$0x0] =	vst.idx.add.f32.msk $0xffff, v9  }
0xe5: {  	[tilespmem:v27+s11+$0x0] =	vst.idx.add.f32.msk $0xffff, v9;
	v27 =	vor.u32 s17, v6  }
0xe6: {  	[tilespmem:v30+s11+$0x0] =	vst.idx.add.f32.msk $0xffff, v9;
	v30 =	vor.u32 s17, v3  }
0xe7: {  	[tilespmem:v26+s11+$0x0] =	vst.idx.add.f32.msk $0xffff, v9;
	v26 =	vor.u32 s17, v5  }
0xe8: {  	[tilespmem:v28+s11+$0x0] =	vst.idx.add.f32.msk $0xffff, v9  }
0xe9: {  	v28 =	vld.idx.msk [tilespmem:v29+s9+$0x0], $0xffff;
	v29 =	vor.u32 s17, v2  }
0xea: {  	v31 =	vor.u32 s17, v4;
	v27 =	vld.idx.msk [tilespmem:v27+s9+$0x0], $0xffff  }
0xeb: {  	v30 =	vld.idx.msk [tilespmem:v30+s9+$0x0], $0xffff  }
0xec: {  	v26 =	vld.idx.msk [tilespmem:v26+s9+$0x0], $0xffff;
	_ =	sdelay $0x1  }
0xed: {  	v32 =	vor.u32 s17, v8;
	v29 =	vld.idx.msk [tilespmem:v29+s9+$0x0], $0xffff  }
0xee: {  	v33 =	vor.u32 s17, v7;
	s17 =	smov.u32 s19;
	v34 =	vshll.u32 v28, $0x8;
	v28 =	vshll.u32 v28, $0x7;
	v31 =	vld.idx.msk [tilespmem:v31+s9+$0x0], $0xffff  }
0xef: {  	v34 =	vand.u32 $0xFFFFF800, v34;
	v28 =	vand.u32 $0x380, v28;
	v35 =	vshll.u32 v27, $0x7  }
0xf0: {  	v28 =	vor.u32 v28, v34;
	v34 =	vshll.u32 v30, $0x8;
	v30 =	vshll.u32 v30, $0x7  }
0xf1: {  	v28 =	vor.u32 v10, v28;
	v34 =	vand.u32 $0xFFFFF800, v34;
	v36 =	vshll.u32 v26, $0x8  }
0xf2: {  	v30 =	vand.u32 $0x380, v30;
	v26 =	vshll.u32 v26, $0x7;
	v36 =	vand.u32 $0xFFFFF800, v36  }
0xf3: {  	v35 =	vand.u32 $0x380, v35;
	v26 =	vand.u32 $0x380, v26;
	v37 =	vshll.u32 v29, $0x8  }
0xf4: {  	v29 =	vshll.u32 v29, $0x7;
	v26 =	vor.u32 v26, v36;
	v38 =	vshll.u32 v31, $0x8;
	v33 =	vld.idx.msk [tilespmem:v33+s9+$0x0], $0xffff  }
0xf5: {  	v36 =	vand.u32 $0xFFFFF800, v37;
	v29 =	vand.u32 $0x380, v29;
	v26 =	vor.u32 v14, v26;
	v32 =	vld.idx.msk [tilespmem:v32+s9+$0x0], $0xffff  }
0xf6: {  	[tilespmem:v28+s11+$0x0] =	vst.idx.add.f32.msk $0xffff, v9;
	v28 =	vor.u32 v29, v36;
	v29 =	vor.u32 v30, v34;
	v30 =	vshll.u32 v31, $0x7  }
0xf7: {  	v27 =	vshll.u32 v27, $0x8;
	v28 =	vor.u32 v11, v28;
	v30 =	vand.u32 $0x380, v30  }
0xf8: {  	v27 =	vand.u32 $0xFFFFF800, v27;
	v31 =	vand.u32 $0xFFFFF800, v38;
	v29 =	vor.u32 v12, v29  }
0xf9: {  	v27 =	vor.u32 v35, v27;
	v30 =	vor.u32 v30, v31  }
0xfa: {  	v30 =	vor.u32 v13, v30;
	v31 =	vshll.u32 v33, $0x8;
	v33 =	vshll.u32 v33, $0x7  }
0xfb: {  	v31 =	vand.u32 $0xFFFFF800, v31;
	v33 =	vand.u32 $0x380, v33;
	v34 =	vshll.u32 v32, $0x8  }
0xfc: {  	v27 =	vor.u32 v15, v27;
	[tilespmem:v28+s11+$0x0] =	vst.idx.add.f32.msk $0xffff, v9;
	v28 =	vor.u32 v33, v31;
	v31 =	vshll.u32 v32, $0x7  }
0xfd: {  	[tilespmem:v29+s11+$0x0] =	vst.idx.add.f32.msk $0xffff, v9;
	v28 =	vor.u32 v16, v28;
	v29 =	vand.u32 $0xFFFFF800, v34;
	v31 =	vand.u32 $0x380, v31  }
0xfe: {  	v29 =	vor.u32 v31, v29  }
0xff: {  	[tilespmem:v30+s11+$0x0] =	vst.idx.add.f32.msk $0xffff, v9;
	v29 =	vor.u32 v17, v29  }
0x100: {  	[tilespmem:v26+s11+$0x0] =	vst.idx.add.f32.msk $0xffff, v9  }
0x101: {  	[tilespmem:v27+s11+$0x0] =	vst.idx.add.f32.msk $0xffff, v9  }
0x102: {  	[tilespmem:v28+s11+$0x0] =	vst.idx.add.f32.msk $0xffff, v9  }
.Ltmp2:
0x103: {  	(pc) =	sbr.rel @p0 .LBB2_6-.Ltmp2, $4  }
0x104: {  	[tilespmem:v29+s11+$0x0] =	vst.idx.add.f32.msk $0xffff, v9  }
0x105: {  	v26 =	vld.idx.msk [tilespmem:v23+s9+$0x0], $0xffff  }
0x106: {  	v22 =	vld.idx.msk [tilespmem:v22+s9+$0x0], $0xffff  }
0x107: {  	v23 =	vld.idx.msk [tilespmem:v24+s9+$0x0], $0xffff  }
0x108: {  	_ =	sdelay $0x3  }
0x109: {  	v20 =	vld.idx.msk [tilespmem:v20+s9+$0x0], $0xffff  }
0x10a: {  	v21 =	vld.idx.msk [tilespmem:v21+s9+$0x0], $0xffff  }
0x10b: {  	v25 =	vld.idx.msk [tilespmem:v25+s9+$0x0], $0xffff;
	v24 =	vshll.u32 v26, $0x8;
	v36 =	vshll.u32 v26, $0x7;
	v27 =	vshll.u32 v22, $0x8  }
0x10c: {  	v19 =	vld.idx.msk [tilespmem:v19+s9+$0x0], $0xffff;
	v24 =	vand.u32 $0xFFFFF800, v24;
	v26 =	vand.u32 $0x380, v36;
	v37 =	vshll.u32 v22, $0x7  }
0x10d: {  	v18 =	vld.idx.msk [tilespmem:v18+s9+$0x0], $0xffff;
	v28 =	vshll.u32 v23, $0x7;
	v24 =	vor.u32 v26, v24;
	v38 =	vshll.u32 v23, $0x8  }
0x10e: {  	v22 =	vand.u32 $0x380, v37;
	v39 =	vand.u32 $0xFFFFF800, v27;
	v24 =	vor.u32 v10, v24  }
0x10f: {  	v23 =	vand.u32 $0xFFFFF800, v38;
	v40 =	vshll.u32 v20, $0x8;
	v20 =	vshll.u32 v20, $0x7  }
0x110: {  	v22 =	vor.u32 v22, v39;
	v41 =	vshll.u32 v21, $0x8;
	v28 =	vand.u32 $0x380, v28  }
0x111: {  	v42 =	vshll.u32 v25, $0x8;
	v25 =	vshll.u32 v25, $0x7;
	v21 =	vshll.u32 v21, $0x7  }
0x112: {  	v43 =	vshll.u32 v19, $0x8;
	v44 =	vshll.u32 v18, $0x8;
	v18 =	vshll.u32 v18, $0x7  }
0x113: {  	v19 =	vshll.u32 v19, $0x7;
	v22 =	vor.u32 v11, v22;
	v23 =	vor.u32 v28, v23  }
0x114: {  	v20 =	vand.u32 $0x380, v20;
	v26 =	vand.u32 $0xFFFFF800, v41;
	v21 =	vand.u32 $0x380, v21  }
0x115: {  	v27 =	vand.u32 $0xFFFFF800, v40;
	v28 =	vand.u32 $0xFFFFF800, v42;
	v21 =	vor.u32 v21, v26  }
0x116: {  	v25 =	vand.u32 $0x380, v25;
	v19 =	vand.u32 $0x380, v19;
	v21 =	vor.u32 v12, v21  }
0x117: {  	v18 =	vand.u32 $0x380, v18;
	v23 =	vor.u32 v13, v23;
	v20 =	vor.u32 v20, v27  }
0x118: {  	v26 =	vand.u32 $0xFFFFF800, v43;
	v25 =	vor.u32 v25, v28;
	v20 =	vor.u32 v14, v20  }
0x119: {  	v27 =	vand.u32 $0xFFFFF800, v44;
	v45 =	vor.u32 v15, v25;
	v19 =	vor.u32 v19, v26;
	[tilespmem:v24+s11+$0x0] =	vst.idx.add.f32.msk $0xffff, v9  }
0x11a: {  	v18 =	vor.u32 v18, v27;
	v19 =	vor.u32 v16, v19;
	[tilespmem:v22+s11+$0x0] =	vst.idx.add.f32.msk $0xffff, v9  }
0x11b: {  	v18 =	vor.u32 v17, v18;
	[tilespmem:v21+s11+$0x0] =	vst.idx.add.f32.msk $0xffff, v9  }
0x11c: {  	v46 =	vor.u32 s17, v0;
	[tilespmem:v23+s11+$0x0] =	vst.idx.add.f32.msk $0xffff, v9  }
0x11d: {  	v47 =	vor.u32 s17, v6;
	[tilespmem:v20+s11+$0x0] =	vst.idx.add.f32.msk $0xffff, v9  }
0x11e: {  	v48 =	vor.u32 s17, v3;
	[tilespmem:v45+s11+$0x0] =	vst.idx.add.f32.msk $0xffff, v9  }
0x11f: {  	v49 =	vor.u32 s17, v2;
	[tilespmem:v19+s11+$0x0] =	vst.idx.add.f32.msk $0xffff, v9  }
0x120: {  	v50 =	vor.u32 s17, v4;
	[tilespmem:v18+s11+$0x0] =	vst.idx.add.f32.msk $0xffff, v9  }
0x121: {  	v53 =	vor.u32 s17, v7;
	v18 =	vld.idx.msk [tilespmem:v46+s9+$0x0], $0xffff  }
0x122: {  	v52 =	vor.u32 s17, v8;
	v20 =	vld.idx.msk [tilespmem:v47+s9+$0x0], $0xffff  }
0x123: {  	v22 =	vld.idx.msk [tilespmem:v48+s9+$0x0], $0xffff  }
0x124: {  	v21 =	vld.idx.msk [tilespmem:v49+s9+$0x0], $0xffff  }
0x125: {  	v23 =	vld.idx.msk [tilespmem:v50+s9+$0x0], $0xffff  }
0x126: {  	v26 =	vld.idx.msk [tilespmem:v53+s9+$0x0], $0xffff  }
0x127: {  	v19 =	vor.u32 s17, v5;
	v25 =	vld.idx.msk [tilespmem:v52+s9+$0x0], $0xffff  }
0x128: {  	v51 =	vshll.u32 v18, $0x8;
	v18 =	vshll.u32 v18, $0x7;
	v54 =	vshll.u32 v20, $0x7  }
0x129: {  	v55 =	vshll.u32 v22, $0x8;
	v22 =	vshll.u32 v22, $0x7;
	v29 =	vshll.u32 v21, $0x8  }
0x12a: {  	v21 =	vshll.u32 v21, $0x7;
	v58 =	vshll.u32 v23, $0x8;
	v23 =	vshll.u32 v23, $0x7  }
0x12b: {  	v20 =	vshll.u32 v20, $0x8;
	v60 =	vshll.u32 v26, $0x8;
	v26 =	vshll.u32 v26, $0x7  }
0x12c: {  	v19 =	vld.idx.msk [tilespmem:v19+s9+$0x0], $0xffff;
	v61 =	vshll.u32 v25, $0x8;
	v25 =	vshll.u32 v25, $0x7;
	v24 =	vand.u32 $0xFFFFF800, v51  }
0x12d: {  	v18 =	vand.u32 $0x380, v18;
	v22 =	vand.u32 $0x380, v22;
	v27 =	vand.u32 $0x380, v54  }
0x12e: {  	v57 =	vand.u32 $0xFFFFF800, v29;
	v21 =	vand.u32 $0x380, v21;
	v23 =	vand.u32 $0x380, v23  }
0x12f: {  	v59 =	vand.u32 $0xFFFFF800, v58;
	v20 =	vand.u32 $0xFFFFF800, v20;
	v26 =	vand.u32 $0x380, v26  }
0x130: {  	v18 =	vor.u32 v18, v24;
	v24 =	vand.u32 $0xFFFFF800, v55;
	v21 =	vor.u32 v21, v57  }
0x131: {  	v23 =	vor.u32 v23, v59;
	v18 =	vor.u32 v10, v18;
	v56 =	vshll.u32 v19, $0x8  }
0x132: {  	v19 =	vshll.u32 v19, $0x7;
	v22 =	vor.u32 v22, v24;
	v21 =	vor.u32 v11, v21  }
0x133: {  	v28 =	vand.u32 $0xFFFFF800, v56;
	v19 =	vand.u32 $0x380, v19;
	v22 =	vor.u32 v12, v22  }
0x134: {  	v62 =	vand.u32 $0xFFFFF800, v61;
	v23 =	vor.u32 v13, v23;
	v19 =	vor.u32 v19, v28  }
0x135: {  	v20 =	vor.u32 v27, v20;
	v24 =	vand.u32 $0xFFFFF800, v60;
	v19 =	vor.u32 v14, v19  }
0x136: {  	v25 =	vand.u32 $0x380, v25;
	v20 =	vor.u32 v15, v20;
	[tilespmem:v18+s11+$0x0] =	vst.idx.add.f32.msk $0xffff, v9;
	v18 =	vor.u32 v26, v24  }
0x137: {  	v63 =	vor.u32 v25, v62;
	[tilespmem:v21+s11+$0x0] =	vst.idx.add.f32.msk $0xffff, v9;
	v18 =	vor.u32 v16, v18  }
0x138: {  	v21 =	vor.u32 v17, v63;
	[tilespmem:v22+s11+$0x0] =	vst.idx.add.f32.msk $0xffff, v9  }
0x139: {  	[tilespmem:v23+s11+$0x0] =	vst.idx.add.f32.msk $0xffff, v9  }
0x13a: {  	[tilespmem:v19+s11+$0x0] =	vst.idx.add.f32.msk $0xffff, v9  }
0x13b: {  	s16 =	sadd.s32 $0x1, s16;
	[tilespmem:v20+s11+$0x0] =	vst.idx.add.f32.msk $0xffff, v9  }
0x13c: {  	p0 =	sne.s32 s16, s6;
	[tilespmem:v18+s11+$0x0] =	vst.idx.add.f32.msk $0xffff, v9  }
.Ltmp3:
0x13d: {  	[tilespmem:v21+s11+$0x0] =	vst.idx.add.f32.msk $0xffff, v9;
	(pc) =	sbr.rel @p0 .LBB2_1-.Ltmp3, $4  }
0x13e: {  	[hbm4b:s5+s13] =	stream.strided.scatter [tilespmem:s11], [sflag:$0x3], $0x6000, s14, s13, $0x38;
	[tilespmem:$0x12800] =	vst v63  }
0x13f: {  	_ =	swait.ge [sflag:s15], $0x6000  }
0x140: {  	[sflag:s15] =	ssyncset.done $0x0  }
0x141: {  	[sflag:s15] =	ssyncadd.s32 $0xFFFFA000  }
0x142: {  	_ =	sfence.sel $0x180000  }
0x143: {  	[bflag:$0x0] =	sbarrier.arrive $0xFFFF  }
0x144: {  	p0 =	sne.s32 s1, $0x0;
	_ =	strace $0x90000047  }
0x145: {  	s0 =	sadd.s32 @!p0 $0x100000, s0;
	[bflag:$0x2] =	sbarrier.arrive $0xFFFF  }
0x146: {  	[sflag:s0] =	ssyncadd.tile.s32 @!p0 $0x1;
	_ =	shalt  }
.Lfunc_end2:
_tile_overlayer_lowered:
.L_overlay_start_2:
0x147: {  	(tag) =	ssettag $0x2  }
0x148: {  	s0 =	rddreg [dreg:$0x0];
	s2 =	stileid.u32  }
0x149: {  	s1 =	rddreg [dreg:$0x1];
	p0 =	sne.s32 s2, $0x0  }
0x14a: {  	s3 =	rddreg [dreg:$0x2];
	[bflag:$0x3] =	sbarrier.arrive $0xFFFF;
	s2 =	simm.s32 @!p0 $0x1C04  }
0x14b: {  	[timem:s3], [sflag:s2] =	dma.local @!p0 [hbm:s0], s1  }
0x14c: {  	s0 =	simm.s32 @!p0 $0x4  }
0x14d: {  	_ =	swait.ge @!p0 [sflag:s0], s1  }
0x14e: {  	s1 =	ssub.s32 @!p0 $0x0, s1;
	[sflag:s0] =	ssyncset.done @!p0 $0x0  }
0x14f: {  	[sflag:s0] =	ssyncadd.s32 @!p0 s1  }
0x150: {  	[bflag:$0x3] =	sbarrier.arrive $0xFFFF  }
0x151: {  	_ =	shalt  }

// kernel: kernel.9.cloned.1.call-start
scs
__scs_entry_jumppad:
0x0: {  	(pc) =	sbr.rel $0x88, $3  }
0x1: {  	(tag) =	ssettag $0x0;
	lr =	simm.s32 $0x1  }
0x2: {  	[smem:$0x3F99] =	sst lr;
	_ =	strace $0xD0000000  }
0x3: {  	_ = 	snop  }
0x4: {  	_ = 	snop  }
0x5: {  	_ = 	snop  }
0x6: {  	_ = 	snop  }
0x7: {  	_ = 	snop  }
__scs_overlays_trampoline_lowered:
0x8: {  	[smem:$0x3FA8] =	sst s0  }
0x9: {  	[smem:$0x3FA9] =	sst s1  }
0xa: {  	[smem:$0x3FAA] =	sst s2  }
0xb: {  	[smem:$0x3FAB] =	sst s3  }
0xc: {  	[smem:$0x3FAC] =	sst s4  }
0xd: {  	[smem:$0x3FAD] =	sst s5  }
0xe: {  	[smem:$0x3FAE] =	sst s6  }
0xf: {  	[smem:$0x3FAF] =	sst s7  }
0x10: {  	[smem:$0x3FB0] =	sst s8  }
0x11: {  	[smem:$0x3FB1] =	sst s9;
	s0 =	simm.s32 @!p0 $0x0  }
0x12: {  	s1 =	sld [smem:$0x3F97];
	s0 =	simm.s32 @p0 $0x1  }
0x13: {  	[smem:$0x3FB2] =	sst s0;
	s0 =	simm.s32 @!p1 $0x0  }
0x14: {  	s2 =	sld [smem:$0x3F96];
	s0 =	simm.s32 @p1 $0x1  }
0x15: {  	[smem:$0x3FB3] =	sst s0;
	s0 =	simm.s32 @!p2 $0x0  }
0x16: {  	s3 =	sld [smem:$0x3FDB];
	s0 =	simm.s32 @p2 $0x1  }
0x17: {  	s4 =	simm.s32 $0x1BF5;
	[smem:$0x3FB5] =	sst s0  }
0x18: {  	s0 =	sld [smem:$0x3F98];
	_ =	swait.ge [sflag:s4], $0x0  }
0x19: {  	s7 =	sld [smem:$0x3F99]  }
0x1a: {  	s8 =	sadd.s32 $0xFFFFE003, lr  }
0x1b: {  	s9 =	sadd.s32 $0xFFFFFEF7, lr;
	s5 =	simm.s32 $0xFFFFFFFF;
	p2 =	slt.u32 s8, $0xFFFFF086  }
0x1c: {  	p1 =	slt.u32 s9, $0xF7A;
	s5 =	simm.s32 @!p2 $0x0  }
0x1d: {  	s5 =	simm.s32 @p1 $0x1;
	p0 =	seq.s32 s7, s2  }
0x1e: {  	s7 =	smul.u32 @!p0 $0xF7A, s2;
	p2 =	seq.s32 @!p0 s5, $0x0  }
0x1f: {  	s9 =	smul.u32 $0xF7A, s1;
	s8 =	simm.s32 @!p0 $0x1BF5;
	p2 =	por !p2, p0  }
0x20: {  	[sflag:s8] =	ssyncset.s32 @!p0 $0xFFFFF086;
	s6 =	sadd.s32 @!p0 s3, s7;
	s7 =	simm.s32 @!p0 $0x108  }
0x21: {  	s3 =	sadd.s32 s3, s9;
	s6 =	sadd.s32 @!p0 $0x88, s6;
	s7 =	simm.s32 @p2 $0x1082  }
0x22: {  	[simem:s7], [sflag:s8] =	dma.local @!p0 [hbm:s6], $0xF7A  }
0x23: {  	s9 =	sor.u32 $0xD0000000, s2;
	s6 =	simm.s32 $0x108;
	_ =	swait.ge @!p0 [sflag:s8], $0x0  }
0x24: {  	s3 =	sadd.s32 $0x88, s3;
	s6 =	simm.s32 @!p1 $0x1082;
	[sflag:s4] =	ssyncset.s32 $0xFFFFF086  }
0x25: {  	[simem:s6], [sflag:s4] =	dma.local [hbm:s3], $0xF7A  }
0x26: {  	[smem:$0x3F99] =	sst s1;
	(tag) =	ssettag s2;
	_ =	strace s9  }
0x27: {  	s1 =	sld [smem:$0x3FA9]  }
0x28: {  	s2 =	sld [smem:$0x3FAA]  }
0x29: {  	s4 =	sld [smem:$0x3FAC]  }
0x2a: {  	p0 =	seq.s32 s5, $0x0;
	s5 =	sld [smem:$0x3FAD]  }
0x2b: {  	s6 =	sld [smem:$0x3FAE]  }
0x2c: {  	s7 =	sld [smem:$0x3FAF]  }
0x2d: {  	s3 =	simm.s32 $0x108;
	s8 =	sld [smem:$0x3FB0]  }
0x2e: {  	s3 =	simm.s32 @!p0 $0x1082;
	s9 =	sld [smem:$0x3FB1]  }
0x2f: {  	lr =	sadd.s32 s0, s3;
	s0 =	sld [smem:$0x3FA8]  }
0x30: {  	s3 =	sld [smem:$0x3FAB]  }
0x31: {  	[smem:$0x3FB4] =	sst s10  }
0x32: {  	s10 =	sld [smem:$0x3FB2];
	_ =	sdelay $0x3  }
0x33: {  	p0 =	seq.s32 s10, $0x1;
	s10 =	sld [smem:$0x3FB4];
	_ =	sdelay $0x3  }
0x34: {  	[smem:$0x3FB4] =	sst s10  }
0x35: {  	s10 =	sld [smem:$0x3FB3];
	_ =	sdelay $0x3  }
0x36: {  	p1 =	seq.s32 s10, $0x1;
	s10 =	sld [smem:$0x3FB4];
	_ =	sdelay $0x3  }
0x37: {  	[smem:$0x3FB4] =	sst s10  }
0x38: {  	s10 =	sld [smem:$0x3FB5]  }
0x39: {  	_ = 	snop;
	(pc) =	sbr.ind lr, $3  }
0x3a: {  	_ = 	snop  }
0x3b: {  	_ = 	snop  }
0x3c: {  	p2 =	seq.s32 s10, $0x1;
	s10 =	sld [smem:$0x3FB4]  }
0x3d: {  	_ =	shalt  }
0x3e: {  	_ =	shalt  }
0x3f: {  	_ =	shalt  }
0x40: {  	_ =	shalt  }
0x41: {  	_ =	shalt  }
0x42: {  	_ =	shalt  }
0x43: {  	_ =	shalt  }
0x44: {  	_ =	shalt  }
0x45: {  	_ =	shalt  }
0x46: {  	_ =	shalt  }
0x47: {  	_ =	shalt  }
0x48: {  	_ =	shalt  }
0x49: {  	_ =	shalt  }
0x4a: {  	_ =	shalt  }
0x4b: {  	_ =	shalt  }
0x4c: {  	_ =	shalt  }
0x4d: {  	_ =	shalt  }
0x4e: {  	_ =	shalt  }
0x4f: {  	_ =	shalt  }
0x50: {  	_ =	shalt  }
0x51: {  	_ =	shalt  }
0x52: {  	_ =	shalt  }
0x53: {  	_ =	shalt  }
0x54: {  	_ =	shalt  }
0x55: {  	_ =	shalt  }
0x56: {  	_ =	shalt  }
0x57: {  	_ =	shalt  }
0x58: {  	_ =	shalt  }
0x59: {  	_ =	shalt  }
0x5a: {  	_ =	shalt  }
0x5b: {  	_ =	shalt  }
0x5c: {  	_ =	shalt  }
0x5d: {  	_ =	shalt  }
0x5e: {  	_ =	shalt  }
0x5f: {  	_ =	shalt  }
0x60: {  	_ =	shalt  }
0x61: {  	_ =	shalt  }
0x62: {  	_ =	shalt  }
0x63: {  	_ =	shalt  }
0x64: {  	_ =	shalt  }
0x65: {  	_ =	shalt  }
0x66: {  	_ =	shalt  }
0x67: {  	_ =	shalt  }
0x68: {  	_ =	shalt  }
0x69: {  	_ =	shalt  }
0x6a: {  	_ =	shalt  }
0x6b: {  	_ =	shalt  }
0x6c: {  	_ =	shalt  }
0x6d: {  	_ =	shalt  }
0x6e: {  	_ =	shalt  }
0x6f: {  	_ =	shalt  }
0x70: {  	_ =	shalt  }
0x71: {  	_ =	shalt  }
0x72: {  	_ =	shalt  }
0x73: {  	_ =	shalt  }
0x74: {  	_ =	shalt  }
0x75: {  	_ =	shalt  }
0x76: {  	_ =	shalt  }
0x77: {  	_ =	shalt  }
0x78: {  	_ =	shalt  }
0x79: {  	_ =	shalt  }
0x7a: {  	_ =	shalt  }
0x7b: {  	_ =	shalt  }
0x7c: {  	_ =	shalt  }
0x7d: {  	_ =	shalt  }
0x7e: {  	_ =	shalt  }
0x7f: {  	_ =	shalt  }
0x80: {  	_ =	shalt  }
0x81: {  	_ =	shalt  }
0x82: {  	_ =	shalt  }
0x83: {  	_ =	shalt  }
0x84: {  	_ =	shalt  }
0x85: {  	_ =	shalt  }
0x86: {  	_ =	shalt  }
0x87: {  	_ =	shalt  }
.Lfunc_end0:
.L_simem_size_0:
called_computation.1_lowered:
.L_overlay_start_0:
0x88: {  	s2 =	sld [smem:$0x3FD9]  }
0x89: {  	s3 =	sld [smem:$0x3FFE];
	_ =	sdelay $0x1  }
0x8a: {  	s1 =	srdreg.scid  }
0x8b: {  	s0 =	sand.u32 $0x1, s1  }
0x8c: {  	s17 =	sshll.u32 s0, $0xA;
	s2 =	sadd.s32 s3, s2  }
0x8d: {  	s2 =	sadd.s32 s2, s17  }
0x8e: {  	[smem:$0x3FC0] =	sst s2  }
0x8f: {  	_ = 	snop  }
0x90: {  	s18 =	sld [smem:$0x3FC9];
	(tm) =	ssettm $0x1  }
0x91: {  	s19 =	sld [smem:$0x3FFB];
	_ =	sdelay $0x3  }
0x92: {  	_ =	strace s19  }
0x93: {  	s2 =	sld [smem:$0x3FFC];
	_ =	sdelay $0x3  }
0x94: {  	_ =	strace s2  }
0x95: {  	s2 =	sld [smem:$0x3FFD];
	_ =	sdelay $0x3  }
0x96: {  	_ =	strace s2  }
0x97: {  	_ =	strace $0x8FFFFFFF  }
0x98: {  	s20 =	sld [smem:$0x3FDB];
	_ =	sdelay $0x1  }
0x99: {  	s4 =	simm.s32 $_scs_section_size  }
0x9a: {  	s5 =	simm.s32 $_size__tile_overlayer_lowered;
	s6 =	simm.s32 $_tile_overlayer_lowered  }
0x9b: {  	s7 =	simm.s32 $0x1BFF;
	s21 =	sshll.u32 s6, $0x1;
	s4 =	sadd.s32 s4, s20  }
0x9c: {  	s22 =	simm.s32 $0x0;
	s5 =	sshll.u32 s5, $0x1;
	s6 =	sadd.s32 s21, s4  }
0x9d: {  	[timem:s22], [sflag:s7] =	dma.local [hbm:s6], s5  }
0x9e: {  	_ =	swait.ge [sflag:s7], s5  }
0x9f: {  	s5 =	ssub.s32 $0x0, s5;
	[sflag:s7] =	ssyncset.done $0x0  }
0xa0: {  	[sflag:s7] =	ssyncadd.s32 s5;
	_ =	sdelay $0x1  }
0xa1: {  	s23 =	simm.s32 $0x1B8B  }
0xa2: {  	_ =	swait.ge [sflag:s23], $0x1  }
0xa3: {  	[sflag:s23] =	ssyncset.done $0x0  }
0xa4: {  	[sflag:s23] =	ssyncadd.s32 $0xFFFFFFFF  }
0xa5: {  	s5 =	sld [smem:$0x0]  }
0xa6: {  	s6 =	sand.u32 $0xFFFFFFFE, s1  }
0xa7: {  	p0 =	sne.s32 s1, s6  }
0xa8: {  	s6 =	sshll.u32 @p0 s6, $0xE  }
0xa9: {  	s6 =	sadd.s32 @p0 $0x11B8D, s6;
	s7 =	sshll.u32 @p0 s5, $0x11  }
0xaa: {  	s6 =	sor.u32 @p0 s7, s6  }
0xab: {  	[sflag:s6] =	ssyncadd.remote.s32 @p0 $0x1;
	_ =	sdelay $0x1  }
0xac: {  	s6 =	simm.s32 @p0 $0x1B8D  }
0xad: {  	_ =	swait.eq @p0 [sflag:s6], $0x1  }
0xae: {  	[sflag:s6] =	ssyncadd.s32 @p0 $0xFFFFFFFF  }
0xaf: {  	s7 =	sshll.u32 @!p0 s1, $0xE  }
0xb0: {  	s7 =	sor.u32 @!p0 $0x4000, s7;
	s6 =	simm.s32 @!p0 $0x1B8D  }
0xb1: {  	s5 =	sshll.u32 @!p0 s5, $0x11;
	s7 =	sadd.s32 @!p0 $0x11B8D, s7;
	_ =	swait.eq @!p0 [sflag:s6], $0x1  }
0xb2: {  	s5 =	sor.u32 @!p0 s5, s7;
	[sflag:s6] =	ssyncadd.s32 @!p0 $0xFFFFFFFF  }
0xb3: {  	s25 =	simm.s32 $0x1B8E;
	s24 =	sld [smem:$0x3FFE];
	[sflag:s5] =	ssyncadd.remote.s32 @!p0 $0x1  }
0xb4: {  	s26 =	simm.s32 $execute0_lowered;
	[smem:$0x3FD2] =	sst s25  }
0xb5: {  	s6 =	sshll.u32 s26, $0x1;
	_ =	strace $0x80000049;
	[dreg:$0x1] =	wrdreg $0xFFFFFFFF  }
0xb6: {  	s28 =	simm.s32 $_size_execute0_lowered;
	s4 =	sadd.s32 s4, s6;
	[dreg:$0x0] =	wrdreg $0x0  }
0xb7: {  	s6 =	sshll.u32 s28, $0x1;
	[dreg:$0x2] =	wrdreg s4  }
0xb8: {  	[dreg:$0x3] =	wrdreg s6  }
0xb9: {  	[dreg:$0x4] =	wrdreg $0xC0  }
0xba: {  	_ =	task [dreg:s22], $0x5FFFF  }
0xbb: {  	[dreg:$0x1] =	wrdreg $0xFFFFFFFF  }
0xbc: {  	[dreg:$0x0] =	wrdreg $0x60  }
0xbd: {  	[dreg:$0x2] =	wrdreg s18  }
0xbe: {  	[dreg:$0x3] =	wrdreg s24  }
0xbf: {  	[dreg:$0x4] =	wrdreg $0xA  }
0xc0: {  	_ =	task.clear_ibuf [dreg:s22], $0x5FFFF;
	_ =	strace $0x90000049  }
0xc1: {  	s29 =	simm.s32 $0xA;
	_ =	strace $0x8000004B  }
0xc2: {  	_ =	swait.ge [sflag:s29], $0x1  }
0xc3: {  	[sflag:s29] =	ssyncadd.s32 $0xFFFFFFFF  }
0xc4: {  	_ =	strace $0x9000004B  }
0xc5: {  	_ =	sfence  }
0xc6: {  	s30 =	sld [smem:$0x0];
	_ =	sdelay $0x2  }
0xc7: {  	s31 =	sshll.u32 s1, $0xD;
	s1 =	sshrl.u32 s1, $0x2  }
0xc8: {  	s4 =	sand.u32 $0x4000, s31;
	s1 =	sadd.s32 s1, s30  }
0xc9: {  	s0 =	sor.u32 s4, s0;
	s1 =	sshll.u32 s1, $0x11  }
0xca: {  	s0 =	sor.u32 s1, s0  }
0xcb: {  	s0 =	sadd.s32 $0x8F2B, s0  }
0xcc: {  	[sflag:s0] =	ssyncadd.remote.s32 $0x1  }
0xcd: {  	_ =	sfence.sel $0xFFFF  }
0xce: {  	[dreg:$0x0] =	wrdreg $0xFFFFFFFF;
	(pc) =	sbr.abs _section_cstart, $3  }
0xcf: {  	[dreg:$0x1] =	wrdreg $0xFFFFFFFF  }
0xd0: {  	_ =	task.clear_ibuf [dreg:s22], $0x2FFFF;
	_ =	strace $0x9FFFFFFF  }
0xd1: {  	(tm) =	ssettm $0x7FFFFFFF  }
tec
execute0_lowered:
.L_overlay_start_1:
0x0: {  	(tag) =	ssettag $0x1  }
0x1: {  	s3 =	rddreg [dreg:$0x0]  }
0x2: {  	s4 =	rddreg [dreg:$0x1]  }
0x3: {  	s0 =	rddreg [dreg:$0x2];
	s5 =	srdreg.scid  }
0x4: {  	s2 =	simm.s32 $0x0;
	s1 =	stileid.u32;
	s9 =	simm.s32 $0x6400  }
0x5: {  	s10 =	simm.s32 $0x1;
	s11 =	simm.s32 $0xC800;
	s12 =	simm.s32 $0x2  }
0x6: {  	s13 =	simm.s32 $0x800;
	s14 =	simm.s32 $0x10000;
	s15 =	simm.s32 $0x3  }
0x7: {  	v0 =	vlaneseq.u32;
	v1 =	vimm.f32 $0.0e+00;
	v9 =	vimm.f32 $1.000000000e+00;
	s16 =	simm.s32 $0x0;
	s5 =	sand.u32 $0x1, s5;
	[smem:$0x7FF] =	sst s2  }
0x8: {  	s6 =	sshll.u32 s1, $0x9;
	v2 =	vor.u32 $0x10, v0;
	v3 =	vor.u32 $0x20, v0;
	v4 =	vor.u32 $0x30, v0;
	s7 =	sshll.u32 s5, $0x8;
	s5 =	ssub.s32 $0x2, s5  }
0x9: {  	v5 =	vor.u32 $0x40, v0;
	v6 =	vor.u32 $0x50, v0;
	v7 =	vor.u32 $0x60, v0;
	_ =	strace $0x8000004A;
	s6 =	sor.u32 s7, s6;
	s31 =	sshrl.u32 s5, $0x1  }
0xa: {  	v8 =	vor.u32 $0x70, v0;
	v10 =	vor.u32 $0x400, v0;
	v11 =	vor.u32 $0x410, v0;
	s7 =	sadd.s32 s6, s4;
	s6 =	sadd.s32 s6, s3;
	s8 =	ssub.s32 s5, s31  }
0xb: {  	v12 =	vor.u32 $0x420, v0;
	v13 =	vor.u32 $0x430, v0;
	v14 =	vor.u32 $0x440, v0;
	s3 =	sadd.s32 $0x2000, s6;
	s4 =	sadd.s32 $0x2080, s6;
	s5 =	sadd.s32 $0x19A00, s7  }
0xc: {  	v15 =	vor.u32 $0x450, v0;
	v16 =	vor.u32 $0x460, v0;
	v17 =	vor.u32 $0x470, v0;
	s6 =	smax.u32 s8, $0x1;
	s7 =	simm.s32 $0x400;
	s8 =	simm.s32 $0x20000  }
.LBB2_1:
0xd: {  	[tilespmem:s2], [sflag:$0x1] =	stream.strided.gather [hbm4b:s3+s7], $0x6400, s8, s7, $0x38;
	[tilespmem:$0x12800] =	vst v63  }
0xe: {  	s17 =	sand.u32 $0x7800, s2;
	s18 =	sand.u32 $0x300, s2  }
0xf: {  	s17 =	sor.u32 s18, s17  }
0x10: {  	[tilespmem:s17+$0xCCF0] =	vst v1  }
0x11: {  	[tilespmem:s17+$0xC800] =	vst v1  }
0x12: {  	[tilespmem:s17+$0xC810] =	vst v1  }
0x13: {  	[tilespmem:s17+$0xC820] =	vst v1  }
0x14: {  	[tilespmem:s17+$0xC830] =	vst v1  }
0x15: {  	[tilespmem:s17+$0xC840] =	vst v1  }
0x16: {  	[tilespmem:s17+$0xC850] =	vst v1  }
0x17: {  	[tilespmem:s17+$0xC860] =	vst v1  }
0x18: {  	[tilespmem:s17+$0xC870] =	vst v1  }
0x19: {  	[tilespmem:s17+$0xCC00] =	vst v1  }
0x1a: {  	[tilespmem:s17+$0xCC10] =	vst v1  }
0x1b: {  	[tilespmem:s17+$0xCC20] =	vst v1  }
0x1c: {  	[tilespmem:s17+$0xCC30] =	vst v1  }
0x1d: {  	[tilespmem:s17+$0xCC40] =	vst v1  }
0x1e: {  	[tilespmem:s17+$0xCC50] =	vst v1  }
0x1f: {  	[tilespmem:s17+$0xCC60] =	vst v1  }
0x20: {  	[tilespmem:s17+$0xCC70] =	vst v1  }
0x21: {  	[tilespmem:s17+$0xC880] =	vst v1  }
0x22: {  	[tilespmem:s17+$0xC890] =	vst v1  }
0x23: {  	[tilespmem:s17+$0xC8A0] =	vst v1  }
0x24: {  	[tilespmem:s17+$0xC8B0] =	vst v1  }
0x25: {  	[tilespmem:s17+$0xC8C0] =	vst v1  }
0x26: {  	[tilespmem:s17+$0xC8D0] =	vst v1  }
0x27: {  	[tilespmem:s17+$0xC8E0] =	vst v1  }
0x28: {  	[tilespmem:s17+$0xC8F0] =	vst v1  }
0x29: {  	[tilespmem:s17+$0xCC80] =	vst v1  }
0x2a: {  	[tilespmem:s17+$0xCC90] =	vst v1  }
0x2b: {  	[tilespmem:s17+$0xCCA0] =	vst v1  }
0x2c: {  	[tilespmem:s17+$0xCCB0] =	vst v1  }
0x2d: {  	s19 =	simm.s32 $0x100;
	s20 =	simm.s32 $0x200;
	s18 =	simm.s32 $0x0;
	[tilespmem:s17+$0xCCC0] =	vst v1  }
.LBB2_2:
0x2e: {  	s21 =	sand.u32 $0x7800, s20;
	s22 =	sand.u32 $0x300, s19;
	s18 =	sadd.s32 $0x2, s18;
	[tilespmem:s17+$0xCCD0] =	vst v1  }
0x2f: {  	p0 =	slt.u32 s18, $0x5E;
	[tilespmem:s17+$0xCCE0] =	vst v1;
	s17 =	sor.u32 s22, s21  }
0x30: {  	[tilespmem:s17+$0xCCF0] =	vst v1  }
0x31: {  	[tilespmem:s17+$0xC800] =	vst v1  }
0x32: {  	[tilespmem:s17+$0xC810] =	vst v1  }
0x33: {  	[tilespmem:s17+$0xC820] =	vst v1  }
0x34: {  	[tilespmem:s17+$0xC830] =	vst v1  }
0x35: {  	[tilespmem:s17+$0xC840] =	vst v1  }
0x36: {  	[tilespmem:s17+$0xC850] =	vst v1  }
0x37: {  	[tilespmem:s17+$0xC860] =	vst v1  }
0x38: {  	[tilespmem:s17+$0xC870] =	vst v1  }
0x39: {  	[tilespmem:s17+$0xCC00] =	vst v1  }
0x3a: {  	[tilespmem:s17+$0xCC10] =	vst v1  }
0x3b: {  	[tilespmem:s17+$0xCC20] =	vst v1  }
0x3c: {  	[tilespmem:s17+$0xCC30] =	vst v1  }
0x3d: {  	[tilespmem:s17+$0xCC40] =	vst v1  }
0x3e: {  	[tilespmem:s17+$0xCC50] =	vst v1  }
0x3f: {  	[tilespmem:s17+$0xCC60] =	vst v1  }
0x40: {  	[tilespmem:s17+$0xCC70] =	vst v1  }
0x41: {  	[tilespmem:s17+$0xC880] =	vst v1  }
0x42: {  	[tilespmem:s17+$0xC890] =	vst v1  }
0x43: {  	[tilespmem:s17+$0xC8A0] =	vst v1  }
0x44: {  	[tilespmem:s17+$0xC8B0] =	vst v1  }
0x45: {  	[tilespmem:s17+$0xC8C0] =	vst v1  }
0x46: {  	[tilespmem:s17+$0xC8D0] =	vst v1  }
0x47: {  	[tilespmem:s17+$0xC8E0] =	vst v1  }
0x48: {  	[tilespmem:s17+$0xC8F0] =	vst v1  }
.Ltmp0:
0x49: {  	[tilespmem:s17+$0xCC80] =	vst v1;
	(pc) =	sbr.rel @p0 .LBB2_2-.Ltmp0, $4  }
0x4a: {  	[tilespmem:s17+$0xCC90] =	vst v1  }
0x4b: {  	[tilespmem:s17+$0xCCA0] =	vst v1  }
0x4c: {  	[tilespmem:s17+$0xCCB0] =	vst v1  }
0x4d: {  	s19 =	sadd.s32 $0x100, s19;
	s20 =	sadd.s32 $0x200, s20;
	[tilespmem:s17+$0xCCC0] =	vst v1  }
0x4e: {  	[tilespmem:s17+$0xCCD0] =	vst v1;
	s19 =	simm.s32 $0x0  }
0x4f: {  	[tilespmem:s17+$0xCCE0] =	vst v1;
	v18 =	vor.u32 s19, v0  }
0x50: {  	[tilespmem:s9], [sflag:$0x2] =	stream.strided.gather [hbm4b:s4+s7], $0x6400, s8, s7, $0x38;
	v21 =	vor.u32 s19, v2;
	[tilespmem:$0x12800] =	vst v63  }
0x51: {  	v23 =	vor.u32 s19, v4;
	_ =	swait.ge [sflag:s10], $0x6400  }
0x52: {  	[sflag:s10] =	ssyncset.done $0x0  }
0x53: {  	[sflag:s10] =	ssyncadd.s32 $0xFFFF9C00  }
0x54: {  	v20 =	vor.u32 s19, v5;
	v26 =	vld.idx.msk [tilespmem:v18+s2+$0x0], $0xffff  }
0x55: {  	v22 =	vld.idx.msk [tilespmem:v21+s2+$0x0], $0xffff;
	v21 =	vor.u32 s19, v3  }
0x56: {  	s18 =	simm.s32 $0x2;
	s17 =	simm.s32 $0x80;
	v19 =	vor.u32 s19, v7;
	v25 =	vor.u32 s19, v6;
	v18 =	vor.u32 s19, v8;
	v23 =	vld.idx.msk [tilespmem:v23+s2+$0x0], $0xffff  }
.LBB2_4:
0x57: {  	p0 =	slt.u32 s18, $0xC6;
	s19 =	smov.u32 s18;
	s18 =	sadd.s32 $0x2, s18  }
0x58: {  	_ = 	snop  }
0x59: {  	v20 =	vld.idx.msk [tilespmem:v20+s2+$0x0], $0xffff  }
0x5a: {  	v21 =	vld.idx.msk [tilespmem:v21+s2+$0x0], $0xffff  }
0x5b: {  	v27 =	vshll.u32 v22, $0x8;
	v24 =	vld.idx.msk [tilespmem:v25+s2+$0x0], $0xffff;
	v25 =	vshll.u32 v26, $0x8;
	v26 =	vshll.u32 v26, $0x7  }
0x5c: {  	v28 =	vshll.u32 v23, $0x7;
	v25 =	vand.u32 $0xFFFFF800, v25;
	v26 =	vand.u32 $0x380, v26  }
0x5d: {  	v22 =	vshll.u32 v22, $0x7;
	v23 =	vshll.u32 v23, $0x8;
	v25 =	vor.u32 v25, v26  }
0x5e: {  	v22 =	vand.u32 $0x380, v22;
	v23 =	vand.u32 $0xFFFFF800, v23;
	v25 =	vor.u32 v0, v25  }
0x5f: {  	v26 =	vld.idx.msk [tilespmem:v19+s2+$0x0], $0xffff;
	v19 =	vand.u32 $0xFFFFF800, v27;
	v27 =	vshll.u32 v20, $0x8;
	v20 =	vshll.u32 v20, $0x7  }
0x60: {  	v28 =	vand.u32 $0x380, v28;
	v19 =	vor.u32 v19, v22;
	v22 =	vshll.u32 v21, $0x8  }
0x61: {  	v29 =	vor.u32 v2, v19;
	v19 =	vor.u32 v23, v28;
	v28 =	vand.u32 $0x380, v20  }
0x62: {  	v27 =	vand.u32 $0xFFFFF800, v27;
	v30 =	vld.idx.msk [tilespmem:v18+s2+$0x0], $0xffff;
	v31 =	vor.u32 v4, v19;
	v18 =	vshll.u32 v24, $0x8  }
0x63: {  	s20 =	sshll.u32 s19, $0x7;
	v34 =	vshll.u32 v24, $0x7;
	v32 =	vand.u32 $0xFFFFF800, v22;
	v33 =	vand.u32 $0xFFFFF800, v18  }
0x64: {  	s19 =	sadd.s32 $0x80, s20;
	v23 =	vor.u32 s20, v0;
	v22 =	vor.u32 s20, v2;
	v18 =	vshll.u32 v21, $0x7  }
0x65: {  	v20 =	vor.u32 s20, v5;
	v24 =	vor.u32 s20, v4;
	v21 =	vand.u32 $0x380, v18  }
0x66: {  	v34 =	vand.u32 $0x380, v34;
	v19 =	vor.u32 s20, v7;
	v18 =	vor.u32 s20, v8  }
0x67: {  	v27 =	vor.u32 v27, v28;
	v28 =	vshll.u32 v26, $0x8;
	[tilespmem:v25+s11+$0x0] =	vst.idx.add.f32.msk $0xffff, v9;
	v25 =	vor.u32 v32, v21  }
0x68: {  	v27 =	vor.u32 v5, v27;
	v28 =	vand.u32 $0xFFFFF800, v28;
	v21 =	vor.u32 s20, v3;
	[tilespmem:v29+s11+$0x0] =	vst.idx.add.f32.msk $0xffff, v9  }
0x69: {  	v29 =	vor.u32 v3, v25;
	v25 =	vshll.u32 v30, $0x8;
	v30 =	vshll.u32 v30, $0x7  }
0x6a: {  	v26 =	vshll.u32 v26, $0x7;
	v25 =	vand.u32 $0xFFFFF800, v25;
	v30 =	vand.u32 $0x380, v30  }
0x6b: {  	v26 =	vand.u32 $0x380, v26;
	v32 =	vor.u32 v33, v34;
	v25 =	vor.u32 v25, v30  }
0x6c: {  	v26 =	vor.u32 v28, v26;
	v30 =	vor.u32 v6, v32;
	v28 =	vor.u32 v8, v25  }
0x6d: {  	v26 =	vor.u32 v7, v26  }
0x6e: {  	v25 =	vor.u32 s20, v6;
	[tilespmem:v29+s11+$0x0] =	vst.idx.add.f32.msk $0xffff, v9  }
0x6f: {  	v29 =	vor.u32 s17, v0;
	[tilespmem:v31+s11+$0x0] =	vst.idx.add.f32.msk $0xffff, v9  }
0x70: {  	[tilespmem:v27+s11+$0x0] =	vst.idx.add.f32.msk $0xffff, v9;
	v27 =	vor.u32 s17, v6  }
0x71: {  	[tilespmem:v30+s11+$0x0] =	vst.idx.add.f32.msk $0xffff, v9;
	v30 =	vor.u32 s17, v3  }
0x72: {  	[tilespmem:v26+s11+$0x0] =	vst.idx.add.f32.msk $0xffff, v9;
	v26 =	vor.u32 s17, v5  }
0x73: {  	[tilespmem:v28+s11+$0x0] =	vst.idx.add.f32.msk $0xffff, v9  }
0x74: {  	v28 =	vld.idx.msk [tilespmem:v29+s2+$0x0], $0xffff;
	v29 =	vor.u32 s17, v2  }
0x75: {  	v31 =	vor.u32 s17, v4;
	v27 =	vld.idx.msk [tilespmem:v27+s2+$0x0], $0xffff  }
0x76: {  	v30 =	vld.idx.msk [tilespmem:v30+s2+$0x0], $0xffff  }
0x77: {  	v26 =	vld.idx.msk [tilespmem:v26+s2+$0x0], $0xffff;
	_ =	sdelay $0x1  }
0x78: {  	v32 =	vor.u32 s17, v8;
	v29 =	vld.idx.msk [tilespmem:v29+s2+$0x0], $0xffff  }
0x79: {  	v33 =	vor.u32 s17, v7;
	s17 =	smov.u32 s19;
	v34 =	vshll.u32 v28, $0x8;
	v28 =	vshll.u32 v28, $0x7;
	v31 =	vld.idx.msk [tilespmem:v31+s2+$0x0], $0xffff  }
0x7a: {  	v34 =	vand.u32 $0xFFFFF800, v34;
	v28 =	vand.u32 $0x380, v28;
	v35 =	vshll.u32 v27, $0x7  }
0x7b: {  	v28 =	vor.u32 v34, v28;
	v34 =	vshll.u32 v30, $0x8;
	v30 =	vshll.u32 v30, $0x7  }
0x7c: {  	v28 =	vor.u32 v0, v28;
	v34 =	vand.u32 $0xFFFFF800, v34;
	v36 =	vshll.u32 v26, $0x8  }
0x7d: {  	v30 =	vand.u32 $0x380, v30;
	v26 =	vshll.u32 v26, $0x7;
	v36 =	vand.u32 $0xFFFFF800, v36  }
0x7e: {  	v35 =	vand.u32 $0x380, v35;
	v26 =	vand.u32 $0x380, v26;
	v37 =	vshll.u32 v29, $0x8  }
0x7f: {  	v29 =	vshll.u32 v29, $0x7;
	v26 =	vor.u32 v36, v26;
	v38 =	vshll.u32 v31, $0x8;
	v33 =	vld.idx.msk [tilespmem:v33+s2+$0x0], $0xffff  }
0x80: {  	v36 =	vand.u32 $0xFFFFF800, v37;
	v29 =	vand.u32 $0x380, v29;
	v26 =	vor.u32 v5, v26;
	v32 =	vld.idx.msk [tilespmem:v32+s2+$0x0], $0xffff  }
0x81: {  	[tilespmem:v28+s11+$0x0] =	vst.idx.add.f32.msk $0xffff, v9;
	v28 =	vor.u32 v36, v29;
	v29 =	vor.u32 v34, v30;
	v30 =	vshll.u32 v31, $0x7  }
0x82: {  	v27 =	vshll.u32 v27, $0x8;
	v28 =	vor.u32 v2, v28;
	v30 =	vand.u32 $0x380, v30  }
0x83: {  	v27 =	vand.u32 $0xFFFFF800, v27;
	v31 =	vand.u32 $0xFFFFF800, v38;
	v29 =	vor.u32 v3, v29  }
0x84: {  	v27 =	vor.u32 v27, v35;
	v30 =	vor.u32 v31, v30  }
0x85: {  	v30 =	vor.u32 v4, v30;
	v31 =	vshll.u32 v33, $0x8;
	v33 =	vshll.u32 v33, $0x7  }
0x86: {  	v31 =	vand.u32 $0xFFFFF800, v31;
	v33 =	vand.u32 $0x380, v33;
	v34 =	vshll.u32 v32, $0x8  }
0x87: {  	v27 =	vor.u32 v6, v27;
	[tilespmem:v28+s11+$0x0] =	vst.idx.add.f32.msk $0xffff, v9;
	v28 =	vor.u32 v31, v33;
	v31 =	vshll.u32 v32, $0x7  }
0x88: {  	[tilespmem:v29+s11+$0x0] =	vst.idx.add.f32.msk $0xffff, v9;
	v28 =	vor.u32 v7, v28;
	v29 =	vand.u32 $0xFFFFF800, v34;
	v31 =	vand.u32 $0x380, v31  }
0x89: {  	v29 =	vor.u32 v29, v31  }
0x8a: {  	[tilespmem:v30+s11+$0x0] =	vst.idx.add.f32.msk $0xffff, v9;
	v29 =	vor.u32 v8, v29  }
0x8b: {  	[tilespmem:v26+s11+$0x0] =	vst.idx.add.f32.msk $0xffff, v9  }
0x8c: {  	[tilespmem:v27+s11+$0x0] =	vst.idx.add.f32.msk $0xffff, v9  }
0x8d: {  	[tilespmem:v28+s11+$0x0] =	vst.idx.add.f32.msk $0xffff, v9  }
.Ltmp1:
0x8e: {  	(pc) =	sbr.rel @p0 .LBB2_4-.Ltmp1, $4  }
0x8f: {  	[tilespmem:v29+s11+$0x0] =	vst.idx.add.f32.msk $0xffff, v9  }
0x90: {  	v26 =	vld.idx.msk [tilespmem:v23+s2+$0x0], $0xffff  }
0x91: {  	v22 =	vld.idx.msk [tilespmem:v22+s2+$0x0], $0xffff  }
0x92: {  	v23 =	vld.idx.msk [tilespmem:v24+s2+$0x0], $0xffff  }
0x93: {  	_ =	sdelay $0x3  }
0x94: {  	v20 =	vld.idx.msk [tilespmem:v20+s2+$0x0], $0xffff  }
0x95: {  	v21 =	vld.idx.msk [tilespmem:v21+s2+$0x0], $0xffff;
	v24 =	vshll.u32 v26, $0x8;
	v26 =	vshll.u32 v26, $0x7;
	v27 =	vshll.u32 v22, $0x8  }
0x96: {  	v25 =	vld.idx.msk [tilespmem:v25+s2+$0x0], $0xffff;
	v24 =	vand.u32 $0xFFFFF800, v24;
	v26 =	vand.u32 $0x380, v26;
	v22 =	vshll.u32 v22, $0x7  }
0x97: {  	v28 =	vshll.u32 v23, $0x7;
	v24 =	vor.u32 v24, v26;
	v23 =	vshll.u32 v23, $0x8  }
0x98: {  	v22 =	vand.u32 $0x380, v22;
	v26 =	vand.u32 $0xFFFFF800, v27;
	v24 =	vor.u32 v0, v24  }
0x99: {  	v23 =	vand.u32 $0xFFFFF800, v23;
	v27 =	vshll.u32 v20, $0x8;
	v20 =	vshll.u32 v20, $0x7  }
0x9a: {  	v19 =	vld.idx.msk [tilespmem:v19+s2+$0x0], $0xffff;
	v22 =	vor.u32 v26, v22;
	v26 =	vshll.u32 v21, $0x8;
	v28 =	vand.u32 $0x380, v28  }
0x9b: {  	v18 =	vld.idx.msk [tilespmem:v18+s2+$0x0], $0xffff;
	v60 =	vshll.u32 v25, $0x8;
	v25 =	vshll.u32 v25, $0x7;
	v21 =	vshll.u32 v21, $0x7  }
0x9c: {  	v22 =	vor.u32 v2, v22;
	v23 =	vor.u32 v23, v28;
	v20 =	vand.u32 $0x380, v20  }
0x9d: {  	v27 =	vand.u32 $0xFFFFF800, v27;
	v26 =	vand.u32 $0xFFFFF800, v26;
	v28 =	vand.u32 $0xFFFFF800, v60  }
0x9e: {  	v21 =	vand.u32 $0x380, v21;
	v25 =	vand.u32 $0x380, v25;
	v23 =	vor.u32 v4, v23  }
0x9f: {  	v21 =	vor.u32 v26, v21;
	v20 =	vor.u32 v27, v20;
	v26 =	vshll.u32 v19, $0x8  }
0xa0: {  	v27 =	vshll.u32 v18, $0x8;
	v18 =	vshll.u32 v18, $0x7;
	v21 =	vor.u32 v3, v21  }
0xa1: {  	v19 =	vshll.u32 v19, $0x7;
	v25 =	vor.u32 v28, v25;
	v20 =	vor.u32 v5, v20  }
0xa2: {  	v26 =	vand.u32 $0xFFFFF800, v26;
	v27 =	vand.u32 $0xFFFFF800, v27;
	v19 =	vand.u32 $0x380, v19  }
0xa3: {  	v18 =	vand.u32 $0x380, v18;
	v19 =	vor.u32 v26, v19;
	[tilespmem:v24+s11+$0x0] =	vst.idx.add.f32.msk $0xffff, v9;
	v24 =	vor.u32 v6, v25  }
0xa4: {  	v18 =	vor.u32 v27, v18;
	v19 =	vor.u32 v7, v19;
	[tilespmem:v22+s11+$0x0] =	vst.idx.add.f32.msk $0xffff, v9  }
0xa5: {  	v18 =	vor.u32 v8, v18;
	[tilespmem:v21+s11+$0x0] =	vst.idx.add.f32.msk $0xffff, v9  }
0xa6: {  	v21 =	vor.u32 s17, v0;
	[tilespmem:v23+s11+$0x0] =	vst.idx.add.f32.msk $0xffff, v9  }
0xa7: {  	v23 =	vor.u32 s17, v4;
	[tilespmem:v20+s11+$0x0] =	vst.idx.add.f32.msk $0xffff, v9  }
0xa8: {  	[tilespmem:v24+s11+$0x0] =	vst.idx.add.f32.msk $0xffff, v9  }
0xa9: {  	v20 =	vor.u32 s17, v6;
	[tilespmem:v19+s11+$0x0] =	vst.idx.add.f32.msk $0xffff, v9  }
0xaa: {  	v22 =	vor.u32 s17, v3;
	[tilespmem:v18+s11+$0x0] =	vst.idx.add.f32.msk $0xffff, v9  }
0xab: {  	v18 =	vld.idx.msk [tilespmem:v21+s2+$0x0], $0xffff  }
0xac: {  	v19 =	vor.u32 s17, v5;
	v23 =	vld.idx.msk [tilespmem:v23+s2+$0x0], $0xffff  }
0xad: {  	v25 =	vor.u32 s17, v8  }
0xae: {  	v21 =	vor.u32 s17, v2;
	v20 =	vld.idx.msk [tilespmem:v20+s2+$0x0], $0xffff  }
0xaf: {  	v22 =	vld.idx.msk [tilespmem:v22+s2+$0x0], $0xffff  }
0xb0: {  	v26 =	vor.u32 s17, v7  }
0xb1: {  	v19 =	vld.idx.msk [tilespmem:v19+s2+$0x0], $0xffff;
	v24 =	vshll.u32 v18, $0x8;
	v18 =	vshll.u32 v18, $0x7;
	v63 =	vshll.u32 v23, $0x8  }
0xb2: {  	v25 =	vld.idx.msk [tilespmem:v25+s2+$0x0], $0xffff;
	v23 =	vshll.u32 v23, $0x7;
	v24 =	vand.u32 $0xFFFFF800, v24;
	v18 =	vand.u32 $0x380, v18  }
0xb3: {  	v21 =	vld.idx.msk [tilespmem:v21+s2+$0x0], $0xffff;
	v27 =	vshll.u32 v20, $0x7;
	v23 =	vand.u32 $0x380, v23;
	v20 =	vshll.u32 v20, $0x8  }
0xb4: {  	v18 =	vor.u32 v24, v18;
	v24 =	vshll.u32 v22, $0x8;
	v22 =	vshll.u32 v22, $0x7  }
0xb5: {  	v27 =	vand.u32 $0x380, v27;
	v20 =	vand.u32 $0xFFFFF800, v20;
	v18 =	vor.u32 v0, v18  }
0xb6: {  	v24 =	vand.u32 $0xFFFFF800, v24;
	v61 =	vshll.u32 v19, $0x8;
	v22 =	vand.u32 $0x380, v22  }
0xb7: {  	v19 =	vshll.u32 v19, $0x7;
	v20 =	vor.u32 v20, v27;
	v27 =	vshll.u32 v25, $0x8  }
0xb8: {  	v26 =	vld.idx.msk [tilespmem:v26+s2+$0x0], $0xffff;
	v25 =	vshll.u32 v25, $0x7;
	v29 =	vshll.u32 v21, $0x8;
	v21 =	vshll.u32 v21, $0x7  }
0xb9: {  	v28 =	vand.u32 $0xFFFFF800, v61;
	v62 =	vand.u32 $0xFFFFF800, v29;
	v21 =	vand.u32 $0x380, v21  }
0xba: {  	v19 =	vand.u32 $0x380, v19;
	v22 =	vor.u32 v24, v22;
	v21 =	vor.u32 v62, v21  }
0xbb: {  	v24 =	vand.u32 $0xFFFFF800, v63;
	v20 =	vor.u32 v6, v20;
	v21 =	vor.u32 v2, v21  }
0xbc: {  	v19 =	vor.u32 v28, v19;
	v22 =	vor.u32 v3, v22;
	v23 =	vor.u32 v24, v23  }
0xbd: {  	v24 =	vshll.u32 v26, $0x8;
	v26 =	vshll.u32 v26, $0x7;
	v23 =	vor.u32 v4, v23  }
0xbe: {  	v19 =	vor.u32 v5, v19;
	v24 =	vand.u32 $0xFFFFF800, v24;
	v26 =	vand.u32 $0x380, v26  }
0xbf: {  	v25 =	vand.u32 $0x380, v25;
	[tilespmem:v18+s11+$0x0] =	vst.idx.add.f32.msk $0xffff, v9;
	v18 =	vor.u32 v24, v26;
	v24 =	vand.u32 $0xFFFFF800, v27  }
0xc0: {  	v18 =	vor.u32 v7, v18;
	[tilespmem:v21+s11+$0x0] =	vst.idx.add.f32.msk $0xffff, v9;
	v21 =	vor.u32 v24, v25  }
0xc1: {  	[tilespmem:v22+s11+$0x0] =	vst.idx.add.f32.msk $0xffff, v9;
	v21 =	vor.u32 v8, v21  }
0xc2: {  	[tilespmem:v23+s11+$0x0] =	vst.idx.add.f32.msk $0xffff, v9  }
0xc3: {  	[tilespmem:v19+s11+$0x0] =	vst.idx.add.f32.msk $0xffff, v9  }
0xc4: {  	s19 =	simm.s32 $0x0;
	[tilespmem:v20+s11+$0x0] =	vst.idx.add.f32.msk $0xffff, v9  }
0xc5: {  	[tilespmem:v18+s11+$0x0] =	vst.idx.add.f32.msk $0xffff, v9;
	v18 =	vor.u32 s19, v0  }
0xc6: {  	[tilespmem:v21+s11+$0x0] =	vst.idx.add.f32.msk $0xffff, v9;
	v21 =	vor.u32 s19, v2  }
0xc7: {  	v23 =	vor.u32 s19, v4;
	_ =	swait.ge [sflag:s12], $0x6400  }
0xc8: {  	[sflag:s12] =	ssyncset.done $0x0  }
0xc9: {  	[sflag:s12] =	ssyncadd.s32 $0xFFFF9C00  }
0xca: {  	v20 =	vor.u32 s19, v5;
	v26 =	vld.idx.msk [tilespmem:v18+s9+$0x0], $0xffff  }
0xcb: {  	v22 =	vld.idx.msk [tilespmem:v21+s9+$0x0], $0xffff;
	v21 =	vor.u32 s19, v3  }
0xcc: {  	s18 =	simm.s32 $0x2;
	s17 =	simm.s32 $0x80;
	v25 =	vor.u32 s19, v6;
	v19 =	vor.u32 s19, v7;
	v18 =	vor.u32 s19, v8;
	v23 =	vld.idx.msk [tilespmem:v23+s9+$0x0], $0xffff  }
.LBB2_6:
0xcd: {  	p0 =	slt.u32 s18, $0xC6;
	s19 =	smov.u32 s18;
	s18 =	sadd.s32 $0x2, s18  }
0xce: {  	_ = 	snop  }
0xcf: {  	v20 =	vld.idx.msk [tilespmem:v20+s9+$0x0], $0xffff  }
0xd0: {  	v21 =	vld.idx.msk [tilespmem:v21+s9+$0x0], $0xffff  }
0xd1: {  	v27 =	vshll.u32 v22, $0x8;
	v24 =	vld.idx.msk [tilespmem:v25+s9+$0x0], $0xffff;
	v25 =	vshll.u32 v26, $0x8;
	v26 =	vshll.u32 v26, $0x7  }
0xd2: {  	v28 =	vshll.u32 v23, $0x7;
	v25 =	vand.u32 $0xFFFFF800, v25;
	v26 =	vand.u32 $0x380, v26  }
0xd3: {  	v22 =	vshll.u32 v22, $0x7;
	v23 =	vshll.u32 v23, $0x8;
	v25 =	vor.u32 v26, v25  }
0xd4: {  	v22 =	vand.u32 $0x380, v22;
	v23 =	vand.u32 $0xFFFFF800, v23;
	v25 =	vor.u32 v10, v25  }
0xd5: {  	v26 =	vld.idx.msk [tilespmem:v19+s9+$0x0], $0xffff;
	v19 =	vand.u32 $0xFFFFF800, v27;
	v27 =	vshll.u32 v20, $0x8;
	v20 =	vshll.u32 v20, $0x7  }
0xd6: {  	v28 =	vand.u32 $0x380, v28;
	v19 =	vor.u32 v22, v19;
	v22 =	vshll.u32 v21, $0x8  }
0xd7: {  	v29 =	vor.u32 v11, v19;
	v19 =	vor.u32 v28, v23;
	v28 =	vand.u32 $0x380, v20  }
0xd8: {  	v27 =	vand.u32 $0xFFFFF800, v27;
	v30 =	vld.idx.msk [tilespmem:v18+s9+$0x0], $0xffff;
	v31 =	vor.u32 v13, v19;
	v18 =	vshll.u32 v24, $0x8  }
0xd9: {  	s20 =	sshll.u32 s19, $0x7;
	v34 =	vshll.u32 v24, $0x7;
	v32 =	vand.u32 $0xFFFFF800, v22;
	v33 =	vand.u32 $0xFFFFF800, v18  }
0xda: {  	s19 =	sadd.s32 $0x80, s20;
	v23 =	vor.u32 s20, v0;
	v22 =	vor.u32 s20, v2;
	v18 =	vshll.u32 v21, $0x7  }
0xdb: {  	v20 =	vor.u32 s20, v5;
	v24 =	vor.u32 s20, v4;
	v21 =	vand.u32 $0x380, v18  }
0xdc: {  	v34 =	vand.u32 $0x380, v34;
	v19 =	vor.u32 s20, v7;
	v18 =	vor.u32 s20, v8  }
0xdd: {  	v27 =	vor.u32 v28, v27;
	v28 =	vshll.u32 v26, $0x8;
	[tilespmem:v25+s11+$0x0] =	vst.idx.add.f32.msk $0xffff, v9;
	v25 =	vor.u32 v21, v32  }
0xde: {  	v27 =	vor.u32 v14, v27;
	v28 =	vand.u32 $0xFFFFF800, v28;
	v21 =	vor.u32 s20, v3;
	[tilespmem:v29+s11+$0x0] =	vst.idx.add.f32.msk $0xffff, v9  }
0xdf: {  	v29 =	vor.u32 v12, v25;
	v25 =	vshll.u32 v30, $0x8;
	v30 =	vshll.u32 v30, $0x7  }
0xe0: {  	v26 =	vshll.u32 v26, $0x7;
	v25 =	vand.u32 $0xFFFFF800, v25;
	v30 =	vand.u32 $0x380, v30  }
0xe1: {  	v26 =	vand.u32 $0x380, v26;
	v32 =	vor.u32 v34, v33;
	v25 =	vor.u32 v30, v25  }
0xe2: {  	v26 =	vor.u32 v26, v28;
	v30 =	vor.u32 v15, v32;
	v28 =	vor.u32 v17, v25  }
0xe3: {  	v26 =	vor.u32 v16, v26  }
0xe4: {  	v25 =	vor.u32 s20, v6;
	[tilespmem:v29+s11+$0x0] =	vst.idx.add.f32.msk $0xffff, v9  }
0xe5: {  	v29 =	vor.u32 s17, v0;
	[tilespmem:v31+s11+$0x0] =	vst.idx.add.f32.msk $0xffff, v9  }
0xe6: {  	[tilespmem:v27+s11+$0x0] =	vst.idx.add.f32.msk $0xffff, v9;
	v27 =	vor.u32 s17, v6  }
0xe7: {  	[tilespmem:v30+s11+$0x0] =	vst.idx.add.f32.msk $0xffff, v9;
	v30 =	vor.u32 s17, v3  }
0xe8: {  	[tilespmem:v26+s11+$0x0] =	vst.idx.add.f32.msk $0xffff, v9;
	v26 =	vor.u32 s17, v5  }
0xe9: {  	[tilespmem:v28+s11+$0x0] =	vst.idx.add.f32.msk $0xffff, v9  }
0xea: {  	v28 =	vld.idx.msk [tilespmem:v29+s9+$0x0], $0xffff;
	v29 =	vor.u32 s17, v2  }
0xeb: {  	v31 =	vor.u32 s17, v4;
	v27 =	vld.idx.msk [tilespmem:v27+s9+$0x0], $0xffff  }
0xec: {  	v30 =	vld.idx.msk [tilespmem:v30+s9+$0x0], $0xffff  }
0xed: {  	v26 =	vld.idx.msk [tilespmem:v26+s9+$0x0], $0xffff;
	_ =	sdelay $0x1  }
0xee: {  	v32 =	vor.u32 s17, v8;
	v29 =	vld.idx.msk [tilespmem:v29+s9+$0x0], $0xffff  }
0xef: {  	v33 =	vor.u32 s17, v7;
	s17 =	smov.u32 s19;
	v34 =	vshll.u32 v28, $0x8;
	v28 =	vshll.u32 v28, $0x7;
	v31 =	vld.idx.msk [tilespmem:v31+s9+$0x0], $0xffff  }
0xf0: {  	v34 =	vand.u32 $0xFFFFF800, v34;
	v28 =	vand.u32 $0x380, v28;
	v35 =	vshll.u32 v27, $0x7  }
0xf1: {  	v28 =	vor.u32 v28, v34;
	v34 =	vshll.u32 v30, $0x8;
	v30 =	vshll.u32 v30, $0x7  }
0xf2: {  	v28 =	vor.u32 v10, v28;
	v34 =	vand.u32 $0xFFFFF800, v34;
	v36 =	vshll.u32 v26, $0x8  }
0xf3: {  	v30 =	vand.u32 $0x380, v30;
	v26 =	vshll.u32 v26, $0x7;
	v36 =	vand.u32 $0xFFFFF800, v36  }
0xf4: {  	v35 =	vand.u32 $0x380, v35;
	v26 =	vand.u32 $0x380, v26;
	v37 =	vshll.u32 v29, $0x8  }
0xf5: {  	v29 =	vshll.u32 v29, $0x7;
	v26 =	vor.u32 v26, v36;
	v38 =	vshll.u32 v31, $0x8;
	v33 =	vld.idx.msk [tilespmem:v33+s9+$0x0], $0xffff  }
0xf6: {  	v36 =	vand.u32 $0xFFFFF800, v37;
	v29 =	vand.u32 $0x380, v29;
	v26 =	vor.u32 v14, v26;
	v32 =	vld.idx.msk [tilespmem:v32+s9+$0x0], $0xffff  }
0xf7: {  	[tilespmem:v28+s11+$0x0] =	vst.idx.add.f32.msk $0xffff, v9;
	v28 =	vor.u32 v29, v36;
	v29 =	vor.u32 v30, v34;
	v30 =	vshll.u32 v31, $0x7  }
0xf8: {  	v27 =	vshll.u32 v27, $0x8;
	v28 =	vor.u32 v11, v28;
	v30 =	vand.u32 $0x380, v30  }
0xf9: {  	v27 =	vand.u32 $0xFFFFF800, v27;
	v31 =	vand.u32 $0xFFFFF800, v38;
	v29 =	vor.u32 v12, v29  }
0xfa: {  	v27 =	vor.u32 v35, v27;
	v30 =	vor.u32 v30, v31  }
0xfb: {  	v30 =	vor.u32 v13, v30;
	v31 =	vshll.u32 v33, $0x8;
	v33 =	vshll.u32 v33, $0x7  }
0xfc: {  	v31 =	vand.u32 $0xFFFFF800, v31;
	v33 =	vand.u32 $0x380, v33;
	v34 =	vshll.u32 v32, $0x8  }
0xfd: {  	v27 =	vor.u32 v15, v27;
	[tilespmem:v28+s11+$0x0] =	vst.idx.add.f32.msk $0xffff, v9;
	v28 =	vor.u32 v33, v31;
	v31 =	vshll.u32 v32, $0x7  }
0xfe: {  	[tilespmem:v29+s11+$0x0] =	vst.idx.add.f32.msk $0xffff, v9;
	v28 =	vor.u32 v16, v28;
	v29 =	vand.u32 $0xFFFFF800, v34;
	v31 =	vand.u32 $0x380, v31  }
0xff: {  	v29 =	vor.u32 v31, v29  }
0x100: {  	[tilespmem:v30+s11+$0x0] =	vst.idx.add.f32.msk $0xffff, v9;
	v29 =	vor.u32 v17, v29  }
0x101: {  	[tilespmem:v26+s11+$0x0] =	vst.idx.add.f32.msk $0xffff, v9  }
0x102: {  	[tilespmem:v27+s11+$0x0] =	vst.idx.add.f32.msk $0xffff, v9  }
0x103: {  	[tilespmem:v28+s11+$0x0] =	vst.idx.add.f32.msk $0xffff, v9  }
.Ltmp2:
0x104: {  	(pc) =	sbr.rel @p0 .LBB2_6-.Ltmp2, $4  }
0x105: {  	[tilespmem:v29+s11+$0x0] =	vst.idx.add.f32.msk $0xffff, v9  }
0x106: {  	v26 =	vld.idx.msk [tilespmem:v23+s9+$0x0], $0xffff  }
0x107: {  	v22 =	vld.idx.msk [tilespmem:v22+s9+$0x0], $0xffff  }
0x108: {  	v23 =	vld.idx.msk [tilespmem:v24+s9+$0x0], $0xffff  }
0x109: {  	_ =	sdelay $0x3  }
0x10a: {  	v20 =	vld.idx.msk [tilespmem:v20+s9+$0x0], $0xffff  }
0x10b: {  	v21 =	vld.idx.msk [tilespmem:v21+s9+$0x0], $0xffff  }
0x10c: {  	v25 =	vld.idx.msk [tilespmem:v25+s9+$0x0], $0xffff;
	v24 =	vshll.u32 v26, $0x8;
	v36 =	vshll.u32 v26, $0x7;
	v27 =	vshll.u32 v22, $0x8  }
0x10d: {  	v19 =	vld.idx.msk [tilespmem:v19+s9+$0x0], $0xffff;
	v24 =	vand.u32 $0xFFFFF800, v24;
	v26 =	vand.u32 $0x380, v36;
	v37 =	vshll.u32 v22, $0x7  }
0x10e: {  	v18 =	vld.idx.msk [tilespmem:v18+s9+$0x0], $0xffff;
	v28 =	vshll.u32 v23, $0x7;
	v24 =	vor.u32 v26, v24;
	v38 =	vshll.u32 v23, $0x8  }
0x10f: {  	v22 =	vand.u32 $0x380, v37;
	v39 =	vand.u32 $0xFFFFF800, v27;
	v24 =	vor.u32 v10, v24  }
0x110: {  	v23 =	vand.u32 $0xFFFFF800, v38;
	v40 =	vshll.u32 v20, $0x8;
	v20 =	vshll.u32 v20, $0x7  }
0x111: {  	v22 =	vor.u32 v22, v39;
	v41 =	vshll.u32 v21, $0x8;
	v28 =	vand.u32 $0x380, v28  }
0x112: {  	v42 =	vshll.u32 v25, $0x8;
	v25 =	vshll.u32 v25, $0x7;
	v21 =	vshll.u32 v21, $0x7  }
0x113: {  	v43 =	vshll.u32 v19, $0x8;
	v44 =	vshll.u32 v18, $0x8;
	v18 =	vshll.u32 v18, $0x7  }
0x114: {  	v19 =	vshll.u32 v19, $0x7;
	v22 =	vor.u32 v11, v22;
	v23 =	vor.u32 v28, v23  }
0x115: {  	v20 =	vand.u32 $0x380, v20;
	v26 =	vand.u32 $0xFFFFF800, v41;
	v21 =	vand.u32 $0x380, v21  }
0x116: {  	v27 =	vand.u32 $0xFFFFF800, v40;
	v28 =	vand.u32 $0xFFFFF800, v42;
	v21 =	vor.u32 v21, v26  }
0x117: {  	v25 =	vand.u32 $0x380, v25;
	v19 =	vand.u32 $0x380, v19;
	v21 =	vor.u32 v12, v21  }
0x118: {  	v18 =	vand.u32 $0x380, v18;
	v23 =	vor.u32 v13, v23;
	v20 =	vor.u32 v20, v27  }
0x119: {  	v26 =	vand.u32 $0xFFFFF800, v43;
	v25 =	vor.u32 v25, v28;
	v20 =	vor.u32 v14, v20  }
0x11a: {  	v27 =	vand.u32 $0xFFFFF800, v44;
	v45 =	vor.u32 v15, v25;
	v19 =	vor.u32 v19, v26;
	[tilespmem:v24+s11+$0x0] =	vst.idx.add.f32.msk $0xffff, v9  }
0x11b: {  	v18 =	vor.u32 v18, v27;
	v19 =	vor.u32 v16, v19;
	[tilespmem:v22+s11+$0x0] =	vst.idx.add.f32.msk $0xffff, v9  }
0x11c: {  	v18 =	vor.u32 v17, v18;
	[tilespmem:v21+s11+$0x0] =	vst.idx.add.f32.msk $0xffff, v9  }
0x11d: {  	v46 =	vor.u32 s17, v0;
	[tilespmem:v23+s11+$0x0] =	vst.idx.add.f32.msk $0xffff, v9  }
0x11e: {  	v47 =	vor.u32 s17, v6;
	[tilespmem:v20+s11+$0x0] =	vst.idx.add.f32.msk $0xffff, v9  }
0x11f: {  	v48 =	vor.u32 s17, v3;
	[tilespmem:v45+s11+$0x0] =	vst.idx.add.f32.msk $0xffff, v9  }
0x120: {  	v49 =	vor.u32 s17, v2;
	[tilespmem:v19+s11+$0x0] =	vst.idx.add.f32.msk $0xffff, v9  }
0x121: {  	v50 =	vor.u32 s17, v4;
	[tilespmem:v18+s11+$0x0] =	vst.idx.add.f32.msk $0xffff, v9  }
0x122: {  	v53 =	vor.u32 s17, v7;
	v18 =	vld.idx.msk [tilespmem:v46+s9+$0x0], $0xffff  }
0x123: {  	v52 =	vor.u32 s17, v8;
	v20 =	vld.idx.msk [tilespmem:v47+s9+$0x0], $0xffff  }
0x124: {  	v22 =	vld.idx.msk [tilespmem:v48+s9+$0x0], $0xffff  }
0x125: {  	v21 =	vld.idx.msk [tilespmem:v49+s9+$0x0], $0xffff  }
0x126: {  	v23 =	vld.idx.msk [tilespmem:v50+s9+$0x0], $0xffff  }
0x127: {  	v26 =	vld.idx.msk [tilespmem:v53+s9+$0x0], $0xffff  }
0x128: {  	v19 =	vor.u32 s17, v5;
	v25 =	vld.idx.msk [tilespmem:v52+s9+$0x0], $0xffff  }
0x129: {  	v51 =	vshll.u32 v18, $0x8;
	v18 =	vshll.u32 v18, $0x7;
	v54 =	vshll.u32 v20, $0x7  }
0x12a: {  	v55 =	vshll.u32 v22, $0x8;
	v22 =	vshll.u32 v22, $0x7;
	v29 =	vshll.u32 v21, $0x8  }
0x12b: {  	v21 =	vshll.u32 v21, $0x7;
	v58 =	vshll.u32 v23, $0x8;
	v23 =	vshll.u32 v23, $0x7  }
0x12c: {  	v20 =	vshll.u32 v20, $0x8;
	v60 =	vshll.u32 v26, $0x8;
	v26 =	vshll.u32 v26, $0x7  }
0x12d: {  	v19 =	vld.idx.msk [tilespmem:v19+s9+$0x0], $0xffff;
	v61 =	vshll.u32 v25, $0x8;
	v25 =	vshll.u32 v25, $0x7;
	v24 =	vand.u32 $0xFFFFF800, v51  }
0x12e: {  	v18 =	vand.u32 $0x380, v18;
	v22 =	vand.u32 $0x380, v22;
	v27 =	vand.u32 $0x380, v54  }
0x12f: {  	v57 =	vand.u32 $0xFFFFF800, v29;
	v21 =	vand.u32 $0x380, v21;
	v23 =	vand.u32 $0x380, v23  }
0x130: {  	v59 =	vand.u32 $0xFFFFF800, v58;
	v20 =	vand.u32 $0xFFFFF800, v20;
	v26 =	vand.u32 $0x380, v26  }
0x131: {  	v18 =	vor.u32 v18, v24;
	v24 =	vand.u32 $0xFFFFF800, v55;
	v21 =	vor.u32 v21, v57  }
0x132: {  	v23 =	vor.u32 v23, v59;
	v18 =	vor.u32 v10, v18;
	v56 =	vshll.u32 v19, $0x8  }
0x133: {  	v19 =	vshll.u32 v19, $0x7;
	v22 =	vor.u32 v22, v24;
	v21 =	vor.u32 v11, v21  }
0x134: {  	v28 =	vand.u32 $0xFFFFF800, v56;
	v19 =	vand.u32 $0x380, v19;
	v22 =	vor.u32 v12, v22  }
0x135: {  	v62 =	vand.u32 $0xFFFFF800, v61;
	v23 =	vor.u32 v13, v23;
	v19 =	vor.u32 v19, v28  }
0x136: {  	v20 =	vor.u32 v27, v20;
	v24 =	vand.u32 $0xFFFFF800, v60;
	v19 =	vor.u32 v14, v19  }
0x137: {  	v25 =	vand.u32 $0x380, v25;
	v20 =	vor.u32 v15, v20;
	[tilespmem:v18+s11+$0x0] =	vst.idx.add.f32.msk $0xffff, v9;
	v18 =	vor.u32 v26, v24  }
0x138: {  	v63 =	vor.u32 v25, v62;
	[tilespmem:v21+s11+$0x0] =	vst.idx.add.f32.msk $0xffff, v9;
	v18 =	vor.u32 v16, v18  }
0x139: {  	v21 =	vor.u32 v17, v63;
	[tilespmem:v22+s11+$0x0] =	vst.idx.add.f32.msk $0xffff, v9  }
0x13a: {  	[tilespmem:v23+s11+$0x0] =	vst.idx.add.f32.msk $0xffff, v9  }
0x13b: {  	[tilespmem:v19+s11+$0x0] =	vst.idx.add.f32.msk $0xffff, v9  }
0x13c: {  	s16 =	sadd.s32 $0x1, s16;
	[tilespmem:v20+s11+$0x0] =	vst.idx.add.f32.msk $0xffff, v9  }
0x13d: {  	p0 =	sne.s32 s16, s6;
	[tilespmem:v18+s11+$0x0] =	vst.idx.add.f32.msk $0xffff, v9  }
.Ltmp3:
0x13e: {  	[tilespmem:v21+s11+$0x0] =	vst.idx.add.f32.msk $0xffff, v9;
	(pc) =	sbr.rel @p0 .LBB2_1-.Ltmp3, $4  }
0x13f: {  	[hbm4b:s5+s13] =	stream.strided.scatter [tilespmem:s11], [sflag:$0x3], $0x6000, s14, s13, $0x38;
	[tilespmem:$0x12800] =	vst v63  }
0x140: {  	_ =	swait.ge [sflag:s15], $0x6000  }
0x141: {  	[sflag:s15] =	ssyncset.done $0x0  }
0x142: {  	[sflag:s15] =	ssyncadd.s32 $0xFFFFA000  }
0x143: {  	_ =	sfence.sel $0x180000  }
0x144: {  	[bflag:$0x0] =	sbarrier.arrive $0xFFFF  }
0x145: {  	p0 =	sne.s32 s1, $0x0;
	_ =	strace $0x9000004A  }
0x146: {  	s0 =	sadd.s32 @!p0 $0x100000, s0;
	[bflag:$0x2] =	sbarrier.arrive $0xFFFF  }
0x147: {  	[sflag:s0] =	ssyncadd.tile.s32 @!p0 $0x1;
	_ =	shalt  }
.Lfunc_end2:
_tile_overlayer_lowered:
.L_overlay_start_2:
0x148: {  	(tag) =	ssettag $0x2  }
0x149: {  	s0 =	rddreg [dreg:$0x0];
	s2 =	stileid.u32  }
0x14a: {  	s1 =	rddreg [dreg:$0x1];
	p0 =	sne.s32 s2, $0x0  }
0x14b: {  	s3 =	rddreg [dreg:$0x2];
	[bflag:$0x3] =	sbarrier.arrive $0xFFFF;
	s2 =	simm.s32 @!p0 $0x1C04  }
0x14c: {  	[timem:s3], [sflag:s2] =	dma.local @!p0 [hbm:s0], s1  }
0x14d: {  	s0 =	simm.s32 @!p0 $0x4  }
0x14e: {  	_ =	swait.ge @!p0 [sflag:s0], s1  }
0x14f: {  	s1 =	ssub.s32 @!p0 $0x0, s1;
	[sflag:s0] =	ssyncset.done @!p0 $0x0  }
0x150: {  	[sflag:s0] =	ssyncadd.s32 @!p0 s1  }
0x151: {  	[bflag:$0x3] =	sbarrier.arrive $0xFFFF  }
0x152: {  	_ =	shalt  }

</sc_bundles>
